<compile_context>
chip_gen: v7x
topology: tpu7x:2x2x1
jax: 0.10.2.dev20260603
libtpu: 0.0.44.dev20260713+nightly
codegen_flags: <defaults>
</compile_context>

<pallas_src>
import functools

import jax
import jax.numpy as jnp
from jax import lax
from jax.experimental import pallas as pl
from jax.experimental.pallas import tpu as pltpu
from jax.experimental.pallas import tpu_sc as plsc

NUM_EXPERTS = 8
TOP_K = 2
HIDDEN = 1024
FFN = 3584
TOKENS = 2048
ASSIGN = TOKENS * TOP_K
BLK = 256
MAX_BLOCKS = ASSIGN // BLK + NUM_EXPERTS
P_MAX = MAX_BLOCKS * BLK


def _router_kernel(x_ref, gw_ref, logits_ref, w0_ref, w1_ref,
                   pos0_ref, pos1_ref, meta_ref, xb_ref):
    x = x_ref[...]
    xb_ref[...] = x.astype(jnp.bfloat16)
    logits = lax.dot_general(x, gw_ref[...], (((1,), (1,)), ((), ())),
                             preferred_element_type=jnp.float32)
    logits_ref[...] = logits
    p = jax.nn.softmax(logits, axis=-1)
    cols = lax.broadcasted_iota(jnp.int32, p.shape, 1)
    i1 = jnp.argmax(p, axis=-1)
    sel1 = cols == i1[:, None]
    p1 = jnp.sum(jnp.where(sel1, p, 0.0), axis=-1, keepdims=True)
    pm = jnp.where(sel1, -jnp.inf, p)
    i2 = jnp.argmax(pm, axis=-1)
    sel2 = cols == i2[:, None]
    p2 = jnp.sum(jnp.where(sel2, p, 0.0), axis=-1, keepdims=True)
    denom = p1 + p2
    w0_ref[...] = p1 / denom
    w1_ref[...] = p2 / denom

    n = (jnp.logical_or(sel1, sel2)).astype(jnp.float32)
    r_io = lax.broadcasted_iota(jnp.int32, (TOKENS, TOKENS), 0)
    c_io = lax.broadcasted_iota(jnp.int32, (TOKENS, TOKENS), 1)
    slt = (c_io < r_io).astype(jnp.float32)
    csum = lax.dot_general(slt, n, (((1,), (0,)), ((), ())),
                           preferred_element_type=jnp.float32)

    ones_t = jnp.ones((TOKENS, 1), jnp.float32)
    counts = lax.dot_general(n, ones_t, (((0,), (0,)), ((), ())),
                             preferred_element_type=jnp.float32)
    blocks = jnp.floor((counts + (BLK - 1)) * (1.0 / BLK))
    e_r = lax.broadcasted_iota(jnp.int32, (NUM_EXPERTS, NUM_EXPERTS), 0)
    e_c = lax.broadcasted_iota(jnp.int32, (NUM_EXPERTS, NUM_EXPERTS), 1)
    lt_incl = (e_c <= e_r).astype(jnp.float32)
    cum_incl = lax.dot_general(lt_incl, blocks, (((1,), (0,)), ((), ())),
                               preferred_element_type=jnp.float32)
    off = (cum_incl - blocks) * float(BLK)

    base0 = lax.dot_general(sel1.astype(jnp.float32), off,
                            (((1,), (0,)), ((), ())),
                            preferred_element_type=jnp.float32)
    base1 = lax.dot_general(sel2.astype(jnp.float32), off,
                            (((1,), (0,)), ((), ())),
                            preferred_element_type=jnp.float32)
    c0 = jnp.sum(jnp.where(sel1, csum, 0.0), axis=-1, keepdims=True)
    c1 = jnp.sum(jnp.where(sel2, csum, 0.0), axis=-1, keepdims=True)
    pos0_ref[...] = (base0 + c0).astype(jnp.int32)
    pos1_ref[...] = (base1 + c1).astype(jnp.int32)
    total_blocks = lax.dot_general(
        jnp.ones((1, NUM_EXPERTS), jnp.float32), blocks,
        (((1,), (0,)), ((), ())), preferred_element_type=jnp.float32)
    del total_blocks
    meta_ref[...] = jnp.zeros_like(meta_ref)
    meta_ref[:, 0:1] = blocks.astype(jnp.int32)
    meta_ref[:, 1:2] = (cum_incl - blocks).astype(jnp.int32)


def _run_router(x32, gate_w):
    outs = pl.pallas_call(
        _router_kernel,
        grid=(1,),
        in_specs=[
            pl.BlockSpec((TOKENS, HIDDEN), lambda i: (0, 0)),
            pl.BlockSpec((NUM_EXPERTS, HIDDEN), lambda i: (0, 0)),
        ],
        out_specs=[
            pl.BlockSpec((TOKENS, NUM_EXPERTS), lambda i: (0, 0)),
            pl.BlockSpec((TOKENS, 1), lambda i: (0, 0)),
            pl.BlockSpec((TOKENS, 1), lambda i: (0, 0)),
            pl.BlockSpec((TOKENS, 1), lambda i: (0, 0)),
            pl.BlockSpec((TOKENS, 1), lambda i: (0, 0)),
            pl.BlockSpec((8, 128), lambda i: (0, 0)),
            pl.BlockSpec((TOKENS, HIDDEN), lambda i: (0, 0)),
        ],
        out_shape=[
            jax.ShapeDtypeStruct((TOKENS, NUM_EXPERTS), jnp.float32),
            jax.ShapeDtypeStruct((TOKENS, 1), jnp.float32),
            jax.ShapeDtypeStruct((TOKENS, 1), jnp.float32),
            jax.ShapeDtypeStruct((TOKENS, 1), jnp.int32),
            jax.ShapeDtypeStruct((TOKENS, 1), jnp.int32),
            jax.ShapeDtypeStruct((8, 128), jnp.int32),
            jax.ShapeDtypeStruct((TOKENS, HIDDEN), jnp.bfloat16),
        ],
    )(x32, gate_w)
    return outs


def _make_permute_kernel():
    mesh = plsc.VectorSubcoreMesh(core_axis_name="c", subcore_axis_name="s")

    @functools.partial(
        pl.kernel, mesh=mesh,
        out_type=[
            jax.ShapeDtypeStruct((P_MAX,), jnp.int32),
            jax.ShapeDtypeStruct((P_MAX,), jnp.float32),
        ],
        scratch_types=[
            pltpu.VMEM((ASSIGN,), jnp.int32),
            pltpu.VMEM((ASSIGN,), jnp.float32),
            pltpu.VMEM((P_MAX,), jnp.int32),
            pltpu.VMEM((P_MAX,), jnp.float32),
        ],
        compiler_params=pltpu.CompilerParams(needs_layout_passes=False),
    )
    def permute(pos_hbm, w_hbm, tid_out, ws_out, pos_v, w_v, tid_v, ws_v):
        wid = lax.axis_index("s") * 2 + lax.axis_index("c")

        @pl.when(wid == 0)
        def _():
            pltpu.sync_copy(pos_hbm, pos_v)
            pltpu.sync_copy(w_hbm, w_v)
            zero_i = jnp.zeros((16,), jnp.int32)
            zero_f = jnp.zeros((16,), jnp.float32)

            def init_body(c, _):
                tid_v[pl.ds(c * 16, 16)] = zero_i
                ws_v[pl.ds(c * 16, 16)] = zero_f
                return _
            lax.fori_loop(0, P_MAX // 16, init_body, 0)

            io = lax.iota(jnp.int32, 16)

            def body(c, _):
                base = c * 16
                idx = pos_v[pl.ds(base, 16)]
                wv = w_v[pl.ds(base, 16)]
                tid = lax.shift_right_logical(base + io, 1)
                plsc.store_scatter(tid_v, [idx], tid)
                plsc.store_scatter(ws_v, [idx], wv)
                return _
            lax.fori_loop(0, ASSIGN // 16, body, 0)

            pltpu.sync_copy(tid_v, tid_out)
            pltpu.sync_copy(ws_v, ws_out)

    return permute


_GCH = 96


def _make_gather_kernel():
    mesh = plsc.VectorSubcoreMesh(core_axis_name="c", subcore_axis_name="s")
    per_w = P_MAX // 32
    SL = HIDDEN // 128

    @functools.partial(
        pl.kernel, mesh=mesh,
        out_type=jax.ShapeDtypeStruct((P_MAX, SL, 128), jnp.bfloat16),
        scratch_types=[
            pltpu.VMEM((_GCH,), jnp.int32),
            pltpu.VMEM((_GCH,), jnp.int32),
            pltpu.VMEM((_GCH, SL, 128), jnp.bfloat16),
            pltpu.VMEM((_GCH, SL, 128), jnp.bfloat16),
            pltpu.SemaphoreType.DMA,
            pltpu.SemaphoreType.DMA,
        ],
        compiler_params=pltpu.CompilerParams(
            needs_layout_passes=False, use_tc_tiling_on_sc=True),
    )
    def gather(x_hbm, tid_hbm, xs_out, idx0, idx1, rows0, rows1, sem0, sem1):
        wid = lax.axis_index("s") * 2 + lax.axis_index("c")
        base = wid * per_w
        pltpu.sync_copy(tid_hbm.at[pl.ds(base, _GCH)], idx0)
        pltpu.sync_copy(tid_hbm.at[pl.ds(base + _GCH, _GCH)], idx1)
        c0 = pltpu.async_copy(x_hbm.at[idx0], rows0, sem0)
        c1 = pltpu.async_copy(x_hbm.at[idx1], rows1, sem1)
        c0.wait()
        pltpu.sync_copy(rows0, xs_out.at[pl.ds(base, _GCH)])
        c1.wait()
        pltpu.sync_copy(rows1, xs_out.at[pl.ds(base + _GCH, _GCH)])

    return gather


@functools.lru_cache(maxsize=1)
def _sc_kernels():
    return _make_permute_kernel(), _make_gather_kernel()


NF = 4
FBLK = FFN // NF
MAXB_E = TOKENS // BLK


def _mlp_kernel(nblk_ref, gsb_ref, xb_ref, tid_ref, ws_ref,
                w1_ref, w3_ref, w2_ref, final_ref,
                xs_cache, g_cache, yacc):
    e = pl.program_id(0)
    f = pl.program_id(1)

    @pl.when(jnp.logical_and(e == 0, f == 0))
    def _init():
        final_ref[...] = jnp.zeros_like(final_ref)

    nb = nblk_ref[e]
    gsb = gsb_ref[e]
    w1 = w1_ref[0]
    w3 = w3_ref[0]
    w2 = w2_ref[0]

    def body(j, carry):
        gb = gsb + j

        @pl.when(f == 0)
        def _build():
            tid = tid_ref[pl.ds(gb, 1)][0]
            cols = lax.broadcasted_iota(jnp.int32, (BLK, TOKENS), 1)
            onehot = (cols == tid).astype(jnp.bfloat16)
            g_cache[pl.ds(j, 1)] = onehot.reshape(1, BLK, TOKENS)
            xs0 = lax.dot_general(onehot, xb_ref[...], (((1,), (0,)), ((), ())),
                                  preferred_element_type=jnp.float32
                                  ).astype(jnp.bfloat16)
            xs_cache[pl.ds(j, 1)] = xs0.reshape(1, BLK, HIDDEN)

        xs = xs_cache[pl.ds(j, 1)][0]
        a = lax.dot_general(xs, w1, (((1,), (1,)), ((), ())),
                            preferred_element_type=jnp.float32)
        g = lax.dot_general(xs, w3, (((1,), (1,)), ((), ())),
                            preferred_element_type=jnp.float32)
        hb = (jax.nn.silu(a) * g).astype(jnp.bfloat16)
        yj = lax.dot_general(hb, w2, (((1,), (1,)), ((), ())),
                             preferred_element_type=jnp.float32)

        @pl.when(f == 0)
        def _y0():
            yacc[pl.ds(j, 1)] = yj.reshape(1, BLK, HIDDEN)

        @pl.when(f != 0)
        def _yn():
            yacc[pl.ds(j, 1)] += yj.reshape(1, BLK, HIDDEN)

        @pl.when(f == NF - 1)
        def _scatter():
            ws = ws_ref[pl.ds(gb, 1)][0]
            yv = (yacc[pl.ds(j, 1)][0] * ws).astype(jnp.bfloat16)
            onehot = g_cache[pl.ds(j, 1)][0]
            final_ref[...] += lax.dot_general(
                onehot, yv, (((0,), (0,)), ((), ())),
                preferred_element_type=jnp.float32)

        return carry

    lax.fori_loop(0, nb, body, 0)


def _run_mlp(nblk, gsb, xb, tid3, ws3, w1b, w3b, w2b):
    grid_spec = pltpu.PrefetchScalarGridSpec(
        num_scalar_prefetch=2,
        grid=(NUM_EXPERTS, NF),
        in_specs=[
            pl.BlockSpec((TOKENS, HIDDEN), lambda e, f, nb_r, gs_r: (0, 0)),
            pl.BlockSpec((MAX_BLOCKS, BLK, 1),
                         lambda e, f, nb_r, gs_r: (0, 0, 0)),
            pl.BlockSpec((MAX_BLOCKS, BLK, 1),
                         lambda e, f, nb_r, gs_r: (0, 0, 0)),
            pl.BlockSpec((1, FBLK, HIDDEN), lambda e, f, nb_r, gs_r: (e, f, 0)),
            pl.BlockSpec((1, FBLK, HIDDEN), lambda e, f, nb_r, gs_r: (e, f, 0)),
            pl.BlockSpec((1, HIDDEN, FBLK), lambda e, f, nb_r, gs_r: (e, 0, f)),
        ],
        out_specs=pl.BlockSpec((TOKENS, HIDDEN),
                               lambda e, f, nb_r, gs_r: (0, 0)),
        scratch_shapes=[
            pltpu.VMEM((MAXB_E, BLK, HIDDEN), jnp.bfloat16),
            pltpu.VMEM((MAXB_E, BLK, TOKENS), jnp.bfloat16),
            pltpu.VMEM((MAXB_E, BLK, HIDDEN), jnp.float32),
        ],
    )
    return pl.pallas_call(
        _mlp_kernel,
        grid_spec=grid_spec,
        out_shape=jax.ShapeDtypeStruct((TOKENS, HIDDEN), jnp.float32),
        compiler_params=pltpu.CompilerParams(
            vmem_limit_bytes=60 * 1024 * 1024),
    )(nblk, gsb, xb, tid3, ws3, w1b, w3b, w2b)


@jax.jit
def kernel(hidden_states, gate_w, w1, w2, w3):
    batch, seq, hid = hidden_states.shape
    x32 = hidden_states.reshape(batch * seq, hid)
    w1b = w1.astype(jnp.bfloat16)
    w3b = w3.astype(jnp.bfloat16)
    w2b = w2.astype(jnp.bfloat16)

    logits, wt0, wt1, pos0, pos1, meta, xb = _run_router(x32, gate_w)

    pos_flat = jnp.concatenate([pos0, pos1], axis=1).reshape(ASSIGN)
    w_flat = jnp.concatenate([wt0, wt1], axis=1).reshape(ASSIGN)
    nblk = meta[:, 0]
    gsb = meta[:, 1]

    permute_k = _sc_kernels()[0]
    tid_sorted, ws_sorted = permute_k(pos_flat, w_flat)

    tid3 = tid_sorted.reshape(MAX_BLOCKS, BLK, 1)
    ws3 = ws_sorted.reshape(MAX_BLOCKS, BLK, 1)
    final = _run_mlp(nblk, gsb, xb, tid3, ws3, w1b, w3b, w2b)
    return final.reshape(batch, seq, hid), logits

# --- scband reference (transcript-rebuilt; emitter-appended) ---
"""Pipeline reference for scband-mixtral-sparse-moe-block-30657476559668 (READ-ONLY COPY).

The authoritative reference and input builder live on the scoring server;
editing this copy changes nothing except your own understanding.
"""

import jax, jax.numpy as jnp
import numpy as np

NUM_EXPERTS = 8
TOP_K = 2
HIDDEN = 1024
FFN = 3584


def setup_inputs(seed: int = 0) -> dict:
    key = jax.random.key(seed)
    k_x, k_g, k_w1, k_w2, k_w3 = jax.random.split(key, 5)
    hidden_states = jax.random.normal(k_x, (1, 2048, HIDDEN), dtype=jnp.float32)
    gate_w = jax.random.normal(k_g, (NUM_EXPERTS, HIDDEN), dtype=jnp.float32) * 0.02
    w1 = jax.random.normal(k_w1, (NUM_EXPERTS, FFN, HIDDEN), dtype=jnp.float32) * 0.02
    w2 = jax.random.normal(k_w2, (NUM_EXPERTS, HIDDEN, FFN), dtype=jnp.float32) * 0.02
    w3 = jax.random.normal(k_w3, (NUM_EXPERTS, FFN, HIDDEN), dtype=jnp.float32) * 0.02
    return {"hidden_states": hidden_states, "gate_w": gate_w, "w1": w1, "w2": w2, "w3": w3}


def reference(hidden_states, gate_w, w1, w2, w3):
    batch_size, sequence_length, hidden_dim = hidden_states.shape
    x = hidden_states.reshape(-1, hidden_dim)
    # router: nn.Linear(hidden, num_experts, bias=False) -> x @ W.T
    router_logits = x @ gate_w.T
    routing_weights = jax.nn.softmax(router_logits.astype(jnp.float32), axis=1)
    routing_weights_topk, selected_experts = jax.lax.top_k(routing_weights, TOP_K)
    routing_weights_topk = routing_weights_topk / jnp.sum(routing_weights_topk, axis=-1, keepdims=True)
    routing_weights_topk = routing_weights_topk.astype(x.dtype)
    final = jnp.zeros_like(x)
    for e in range(NUM_EXPERTS):
        # per-token weight for this expert (0 if not selected) -- equivalent to
        # the torch index_add over the selected-token subset
        mask = (selected_experts == e).astype(x.dtype)  # [T, top_k]
        w_tok = jnp.sum(routing_weights_topk * mask, axis=-1)  # [T]
        h = jax.nn.silu(x @ w1[e].T) * (x @ w3[e].T)
        h = h @ w2[e].T
        final = final + h * w_tok[:, None]
    final = final.reshape(batch_size, sequence_length, hidden_dim)
    return (final, router_logits)

if __name__ == "__main__":
    import jax
    _d = setup_inputs()
    print(jax.jit(kernel)(*tuple(_d.values())))

</pallas_src>

<mosaic_0001>
#map = affine_map<(d0, d1) -> (0)>
module attributes {stable_mosaic.version = 14 : i64} {
  func.func @permute(%arg0: i32, %arg1: i32, %arg2: memref<4096xi32, #tpu.memory_space<hbm>>, %arg3: memref<4096xf32, #tpu.memory_space<hbm>>, %arg4: memref<6144xi32, #tpu.memory_space<hbm>>, %arg5: memref<6144xf32, #tpu.memory_space<hbm>>, %arg6: memref<4096xi32, #tpu.memory_space<vmem>>, %arg7: memref<4096xf32, #tpu.memory_space<vmem>>, %arg8: memref<6144xi32, #tpu.memory_space<vmem>>, %arg9: memref<6144xf32, #tpu.memory_space<vmem>>) attributes {dimension_semantics = [#tpu.dimension_semantics<core_parallel>, #tpu.dimension_semantics<subcore_parallel>], iteration_bounds = array<i64: 2, 16>, scalar_prefetch = 0 : i64, scratch_operands = 4 : i64, tpu.core_type = #tpu.core_type<sc_vector_subcore>, window_params = [{transform_indices = #map}, {transform_indices = #map}, {transform_indices = #map}, {transform_indices = #map}]} {
    %mul3A = arith.constant 2 : i32
    %mul3A_0 = arith.muli %arg1, %mul3A : i32
    %add3A = arith.addi %mul3A_0, %arg0 : i32
    %eq3A = arith.constant 0 : i32
    %eq3A_1 = arith.cmpi eq, %add3A, %eq3A : i32
    %convert_element_type3A = arith.extui %eq3A_1 : i1 to i32
    %cond3A = arith.constant 0 : i32
    %cond3A_2 = arith.cmpi ne, %convert_element_type3A, %cond3A : i32
    scf.if %cond3A_2 {
      "tpu.region"() ({
        %run_scoped3A = tpu.sem_alloc : memref<!tpu.dma_semaphore, #tpu.memory_space<semaphore_mem>>
        tpu.enqueue_dma source(%arg2 : memref<4096xi32, #tpu.memory_space<hbm>>) target(%arg6 : memref<4096xi32, #tpu.memory_space<vmem>>) target_semaphore(%run_scoped3A : memref<!tpu.dma_semaphore, #tpu.memory_space<semaphore_mem>>)
        tpu.wait_dma2 semaphore(%run_scoped3A : memref<!tpu.dma_semaphore, #tpu.memory_space<semaphore_mem>>) src(%arg2 : memref<4096xi32, #tpu.memory_space<hbm>>) dst(%arg6 : memref<4096xi32, #tpu.memory_space<vmem>>)
        tpu.yield
      }) : () -> ()
      "tpu.region"() ({
        %run_scoped3A = tpu.sem_alloc : memref<!tpu.dma_semaphore, #tpu.memory_space<semaphore_mem>>
        tpu.enqueue_dma source(%arg3 : memref<4096xf32, #tpu.memory_space<hbm>>) target(%arg7 : memref<4096xf32, #tpu.memory_space<vmem>>) target_semaphore(%run_scoped3A : memref<!tpu.dma_semaphore, #tpu.memory_space<semaphore_mem>>)
        tpu.wait_dma2 semaphore(%run_scoped3A : memref<!tpu.dma_semaphore, #tpu.memory_space<semaphore_mem>>) src(%arg3 : memref<4096xf32, #tpu.memory_space<hbm>>) dst(%arg7 : memref<4096xf32, #tpu.memory_space<vmem>>)
        tpu.yield
      }) : () -> ()
      %broadcast_in_dim3A = arith.constant 0 : i32
      %broadcast_in_dim3A_3 = vector.broadcast %broadcast_in_dim3A : i32 to vector<16xi32>
      %broadcast_in_dim3A_4 = arith.constant 0.000000e+00 : f32
      %broadcast_in_dim3A_5 = vector.broadcast %broadcast_in_dim3A_4 : f32 to vector<16xf32>
      %scan3A = arith.constant 0 : i32
      %scan3A_6 = arith.constant 0 : i32
      %scan3A_7 = arith.constant 384 : i32
      %scan3A_8 = arith.addi %scan3A_6, %scan3A_7 : i32
      %scan3A_9 = arith.constant 1 : i32
      scf.for %scan3A_17 = %scan3A_6 to %scan3A_8 step %scan3A_9  : i32 {
        %mul3A_18 = arith.constant 16 : i32
        %mul3A_19 = arith.muli %scan3A_17, %mul3A_18 : i32
        %swap3A = arith.index_cast %mul3A_19 : i32 to index
        %swap3A_20 = tpu.vector_load %arg8[%swap3A] {strides = array<i32>} : memref<6144xi32, #tpu.memory_space<vmem>>, vector<16xi32>,
        tpu.vector_store %arg8[%swap3A], %broadcast_in_dim3A_3 {strides = array<i32>} : memref<6144xi32, #tpu.memory_space<vmem>>, vector<16xi32>,
        %mul3A_21 = arith.constant 16 : i32
        %mul3A_22 = arith.muli %scan3A_17, %mul3A_21 : i32
        %swap3A_23 = arith.index_cast %mul3A_22 : i32 to index
        %swap3A_24 = tpu.vector_load %arg9[%swap3A_23] {strides = array<i32>} : memref<6144xf32, #tpu.memory_space<vmem>>, vector<16xf32>,
        tpu.vector_store %arg9[%swap3A_23], %broadcast_in_dim3A_5 {strides = array<i32>} : memref<6144xf32, #tpu.memory_space<vmem>>, vector<16xf32>,
      }
      %scan3A_10 = arith.constant 384 : i32
      %iota3A = tpu.iota {dimensions = array<i32: 0>} : vector<16xi32>
      %scan3A_11 = arith.constant 0 : i32
      %scan3A_12 = arith.constant 0 : i32
      %scan3A_13 = arith.constant 256 : i32
      %scan3A_14 = arith.addi %scan3A_12, %scan3A_13 : i32
      %scan3A_15 = arith.constant 1 : i32
      scf.for %scan3A_17 = %scan3A_12 to %scan3A_14 step %scan3A_15  : i32 {
        %mul3A_18 = arith.constant 16 : i32
        %mul3A_19 = arith.muli %scan3A_17, %mul3A_18 : i32
        %get3A = arith.index_cast %mul3A_19 : i32 to index
        %get3A_20 = tpu.vector_load %arg6[%get3A] {strides = array<i32>} : memref<4096xi32, #tpu.memory_space<vmem>>, vector<16xi32>,
        %get3A_21 = arith.index_cast %mul3A_19 : i32 to index
        %get3A_22 = tpu.vector_load %arg7[%get3A_21] {strides = array<i32>} : memref<4096xf32, #tpu.memory_space<vmem>>, vector<16xf32>,
        %add3A_23 = vector.broadcast %mul3A_19 : i32 to vector<16xi32>
        %add3A_24 = arith.addi %add3A_23, %iota3A : vector<16xi32>
        %shift_right_logical3A = arith.constant 1 : i32
        %shift_right_logical3A_25 = vector.broadcast %shift_right_logical3A : i32 to vector<16xi32>
        %shift_right_logical3A_26 = arith.shrui %add3A_24, %shift_right_logical3A_25 : vector<16xi32>
        tpu.vector_store_idx %arg8[%get3A_20], %shift_right_logical3A_26 : memref<6144xi32, #tpu.memory_space<vmem>>[vector<16xi32>], vector<16xi32>,
        tpu.vector_store_idx %arg9[%get3A_20], %get3A_22 : memref<6144xf32, #tpu.memory_space<vmem>>[vector<16xi32>], vector<16xf32>,
      }
      %scan3A_16 = arith.constant 256 : i32
      "tpu.region"() ({
        %run_scoped3A = tpu.sem_alloc : memref<!tpu.dma_semaphore, #tpu.memory_space<semaphore_mem>>
        tpu.enqueue_dma source(%arg8 : memref<6144xi32, #tpu.memory_space<vmem>>) target(%arg4 : memref<6144xi32, #tpu.memory_space<hbm>>) target_semaphore(%run_scoped3A : memref<!tpu.dma_semaphore, #tpu.memory_space<semaphore_mem>>)
        tpu.wait_dma2 semaphore(%run_scoped3A : memref<!tpu.dma_semaphore, #tpu.memory_space<semaphore_mem>>) src(%arg8 : memref<6144xi32, #tpu.memory_space<vmem>>) dst(%arg4 : memref<6144xi32, #tpu.memory_space<hbm>>)
        tpu.yield
      }) : () -> ()
      "tpu.region"() ({
        %run_scoped3A = tpu.sem_alloc : memref<!tpu.dma_semaphore, #tpu.memory_space<semaphore_mem>>
        tpu.enqueue_dma source(%arg9 : memref<6144xf32, #tpu.memory_space<vmem>>) target(%arg5 : memref<6144xf32, #tpu.memory_space<hbm>>) target_semaphore(%run_scoped3A : memref<!tpu.dma_semaphore, #tpu.memory_space<semaphore_mem>>)
        tpu.wait_dma2 semaphore(%run_scoped3A : memref<!tpu.dma_semaphore, #tpu.memory_space<semaphore_mem>>) src(%arg9 : memref<6144xf32, #tpu.memory_space<vmem>>) dst(%arg5 : memref<6144xf32, #tpu.memory_space<hbm>>)
        tpu.yield
      }) : () -> ()
    } else {
    }
    return
  }
}

module attributes {stable_mosaic.version = 14 : i64} {
  func.func @_router_kernel(%arg0: i32, %arg1: memref<2048x1024xf32, #tpu.memory_space<vmem>>, %arg2: memref<8x1024xf32, #tpu.memory_space<vmem>>, %arg3: memref<2048x8xf32, #tpu.memory_space<vmem>>, %arg4: memref<2048x1xf32, #tpu.memory_space<vmem>>, %arg5: memref<2048x1xf32, #tpu.memory_space<vmem>>, %arg6: memref<2048x1xi32, #tpu.memory_space<vmem>>, %arg7: memref<2048x1xi32, #tpu.memory_space<vmem>>, %arg8: memref<8x128xi32, #tpu.memory_space<vmem>>, %arg9: memref<2048x1024xbf16, #tpu.memory_space<vmem>>) attributes {dimension_semantics = [#tpu.dimension_semantics<arbitrary>], iteration_bounds = array<i64: 1>, scalar_prefetch = 0 : i64, scratch_operands = 0 : i64, tpu.core_type = #tpu.core_type<tc>, window_params = [{pipeline_mode = #tpu.pipeline_mode<synchronous>, transform_indices = @transform_0, window_bounds = array<i64: 2048, 1024>}, {pipeline_mode = #tpu.pipeline_mode<synchronous>, transform_indices = @transform_1, window_bounds = array<i64: 8, 1024>}, {pipeline_mode = #tpu.pipeline_mode<synchronous>, transform_indices = @transform_2, window_bounds = array<i64: 2048, 8>}, {pipeline_mode = #tpu.pipeline_mode<synchronous>, transform_indices = @transform_3, window_bounds = array<i64: 2048, 1>}, {pipeline_mode = #tpu.pipeline_mode<synchronous>, transform_indices = @transform_4, window_bounds = array<i64: 2048, 1>}, {pipeline_mode = #tpu.pipeline_mode<synchronous>, transform_indices = @transform_5, window_bounds = array<i64: 2048, 1>}, {pipeline_mode = #tpu.pipeline_mode<synchronous>, transform_indices = @transform_6, window_bounds = array<i64: 2048, 1>}, {pipeline_mode = #tpu.pipeline_mode<synchronous>, transform_indices = @transform_7, window_bounds = array<i64: 8, 128>}, {pipeline_mode = #tpu.pipeline_mode<synchronous>, transform_indices = @transform_8, window_bounds = array<i64: 2048, 1024>}]} {
    %get3A = arith.constant 0 : index
    %get3A_0 = arith.constant 0 : index
    %get3A_1 = vector.load %arg1[%get3A, %get3A_0] : memref<2048x1024xf32, #tpu.memory_space<vmem>>, vector<2048x1024xf32>
    %convert_element_type3A = arith.truncf %get3A_1 : vector<2048x1024xf32> to vector<2048x1024xbf16>
    %swap3A = arith.constant 0 : index
    %swap3A_2 = arith.constant 0 : index
    %swap3A_3 = vector.load %arg9[%swap3A, %swap3A_2] : memref<2048x1024xbf16, #tpu.memory_space<vmem>>, vector<2048x1024xbf16>
    tpu.vector_store %arg9[%swap3A, %swap3A_2], %convert_element_type3A {strides = array<i32>} : memref<2048x1024xbf16, #tpu.memory_space<vmem>>, vector<2048x1024xbf16>,
    %get3A_4 = arith.constant 0 : index
    %get3A_5 = arith.constant 0 : index
    %get3A_6 = vector.load %arg2[%get3A_4, %get3A_5] : memref<8x1024xf32, #tpu.memory_space<vmem>>, vector<8x1024xf32>
    %dot_general3A = arith.constant dense<0.000000e+00> : vector<2048x8xf32>
    %dot_general3A_7 = tpu.matmul %get3A_1, %get3A_6, %dot_general3A {dimension_numbers = #tpu.dot_dimension_numbers<[1], [1], [0], [0], [0, 0, 1, 0], [], []>, transpose_lhs_hint = false} : vector<2048x1024xf32>, vector<8x1024xf32>, vector<2048x8xf32> -> vector<2048x8xf32>
    %swap3A_8 = arith.constant 0 : index
    %swap3A_9 = arith.constant 0 : index
    %swap3A_10 = vector.load %arg3[%swap3A_8, %swap3A_9] : memref<2048x8xf32, #tpu.memory_space<vmem>>, vector<2048x8xf32>
    tpu.vector_store %arg3[%swap3A_8, %swap3A_9], %dot_general3A_7 {strides = array<i32>} : memref<2048x8xf32, #tpu.memory_space<vmem>>, vector<2048x8xf32>,
    %reduce_max3A = arith.constant dense<0xFF800000> : vector<2048xf32>
    %reduce_max3A_11 = vector.multi_reduction <maximumf>, %dot_general3A_7, %reduce_max3A [1] : vector<2048x8xf32> to vector<2048xf32>
    %max3A = arith.constant 0xFF800000 : f32
    %max3A_12 = vector.broadcast %max3A : f32 to vector<2048xf32>
    %max3A_13 = arith.maximumf %max3A_12, %reduce_max3A_11 : vector<2048xf32>
    %broadcast_in_dim3A = vector.shape_cast %max3A_13 : vector<2048xf32> to vector<2048x1xf32>
    %sub3A = vector.broadcast %broadcast_in_dim3A : vector<2048x1xf32> to vector<2048x8xf32>
    %sub3A_14 = arith.subf %dot_general3A_7, %sub3A : vector<2048x8xf32>
    %exp3A = math.exp %sub3A_14 : vector<2048x8xf32>
    %reduce_sum3A = arith.constant dense<0.000000e+00> : vector<2048xf32>
    %reduce_sum3A_15 = vector.multi_reduction <add>, %exp3A, %reduce_sum3A [1] : vector<2048x8xf32> to vector<2048xf32>
    %broadcast_in_dim3A_16 = vector.shape_cast %reduce_sum3A_15 : vector<2048xf32> to vector<2048x1xf32>
    %div3A = vector.broadcast %broadcast_in_dim3A_16 : vector<2048x1xf32> to vector<2048x8xf32>
    %div3A_17 = arith.divf %exp3A, %div3A : vector<2048x8xf32>
    %iota3A = tpu.iota {dimensions = array<i32: 1>} : vector<2048x8xi32>
    %argmax3A = tpu.reduce_index %div3A_17 {axis = 1 : i32, kind = #tpu.reduction_kind<arg_max>} : vector<2048x8xf32> -> vector<2048xi32>
    %broadcast_in_dim3A_18 = vector.shape_cast %argmax3A : vector<2048xi32> to vector<2048x1xi32>
    %eq3A = vector.broadcast %broadcast_in_dim3A_18 : vector<2048x1xi32> to vector<2048x8xi32>
    %eq3A_19 = arith.cmpi eq, %iota3A, %eq3A : vector<2048x8xi32>
    %jit3A = arith.constant 0.000000e+00 : f32
    %broadcast_in_dim3A_20 = vector.broadcast %jit3A : f32 to vector<2048x8xf32>
    %select_n3A = arith.select %eq3A_19, %div3A_17, %broadcast_in_dim3A_20 : vector<2048x8xi1>, vector<2048x8xf32>
    %reduce_sum3A_21 = arith.constant dense<0.000000e+00> : vector<2048xf32>
    %reduce_sum3A_22 = vector.multi_reduction <add>, %select_n3A, %reduce_sum3A_21 [1] : vector<2048x8xf32> to vector<2048xf32>
    %broadcast_in_dim3A_23 = vector.shape_cast %reduce_sum3A_22 : vector<2048xf32> to vector<2048x1xf32>
    %jit3A_24 = arith.constant 0xFF800000 : f32
    %broadcast_in_dim3A_25 = vector.broadcast %jit3A_24 : f32 to vector<2048x8xf32>
    %select_n3A_26 = arith.select %eq3A_19, %broadcast_in_dim3A_25, %div3A_17 : vector<2048x8xi1>, vector<2048x8xf32>
    %argmax3A_27 = tpu.reduce_index %select_n3A_26 {axis = 1 : i32, kind = #tpu.reduction_kind<arg_max>} : vector<2048x8xf32> -> vector<2048xi32>
    %broadcast_in_dim3A_28 = vector.shape_cast %argmax3A_27 : vector<2048xi32> to vector<2048x1xi32>
    %eq3A_29 = vector.broadcast %broadcast_in_dim3A_28 : vector<2048x1xi32> to vector<2048x8xi32>
    %eq3A_30 = arith.cmpi eq, %iota3A, %eq3A_29 : vector<2048x8xi32>
    %jit3A_31 = arith.constant 0.000000e+00 : f32
    %broadcast_in_dim3A_32 = vector.broadcast %jit3A_31 : f32 to vector<2048x8xf32>
    %select_n3A_33 = arith.select %eq3A_30, %div3A_17, %broadcast_in_dim3A_32 : vector<2048x8xi1>, vector<2048x8xf32>
    %reduce_sum3A_34 = arith.constant dense<0.000000e+00> : vector<2048xf32>
    %reduce_sum3A_35 = vector.multi_reduction <add>, %select_n3A_33, %reduce_sum3A_34 [1] : vector<2048x8xf32> to vector<2048xf32>
    %broadcast_in_dim3A_36 = vector.shape_cast %reduce_sum3A_35 : vector<2048xf32> to vector<2048x1xf32>
    %add3A = arith.addf %broadcast_in_dim3A_23, %broadcast_in_dim3A_36 : vector<2048x1xf32>
    %div3A_37 = arith.divf %broadcast_in_dim3A_23, %add3A : vector<2048x1xf32>
    %swap3A_38 = arith.constant 0 : index
    %swap3A_39 = arith.constant 0 : index
    %swap3A_40 = vector.load %arg4[%swap3A_38, %swap3A_39] : memref<2048x1xf32, #tpu.memory_space<vmem>>, vector<2048x1xf32>
    tpu.vector_store %arg4[%swap3A_38, %swap3A_39], %div3A_37 {strides = array<i32>} : memref<2048x1xf32, #tpu.memory_space<vmem>>, vector<2048x1xf32>,
    %div3A_41 = arith.divf %broadcast_in_dim3A_36, %add3A : vector<2048x1xf32>
    %swap3A_42 = arith.constant 0 : index
    %swap3A_43 = arith.constant 0 : index
    %swap3A_44 = vector.load %arg5[%swap3A_42, %swap3A_43] : memref<2048x1xf32, #tpu.memory_space<vmem>>, vector<2048x1xf32>
    tpu.vector_store %arg5[%swap3A_42, %swap3A_43], %div3A_41 {strides = array<i32>} : memref<2048x1xf32, #tpu.memory_space<vmem>>, vector<2048x1xf32>,
    %or3A = arith.ori %eq3A_19, %eq3A_30 : vector<2048x8xi1>
    %convert_element_type3A_45 = arith.extui %or3A : vector<2048x8xi1> to vector<2048x8xi32>
    %convert_element_type3A_46 = arith.sitofp %convert_element_type3A_45 : vector<2048x8xi32> to vector<2048x8xf32>
    %iota3A_47 = tpu.iota {dimensions = array<i32: 0>} : vector<2048x2048xi32>
    %iota3A_48 = tpu.iota {dimensions = array<i32: 1>} : vector<2048x2048xi32>
    %lt3A = arith.cmpi slt, %iota3A_48, %iota3A_47 : vector<2048x2048xi32>
    %convert_element_type3A_49 = arith.extui %lt3A : vector<2048x2048xi1> to vector<2048x2048xi32>
    %convert_element_type3A_50 = arith.sitofp %convert_element_type3A_49 : vector<2048x2048xi32> to vector<2048x2048xf32>
    %dot_general3A_51 = arith.constant dense<0.000000e+00> : vector<2048x8xf32>
    %dot_general3A_52 = tpu.matmul %convert_element_type3A_50, %convert_element_type3A_46, %dot_general3A_51 {dimension_numbers = #tpu.dot_dimension_numbers<[1], [0], [0], [1], [0, 0, 1, 1], [], []>, transpose_lhs_hint = false} : vector<2048x2048xf32>, vector<2048x8xf32>, vector<2048x8xf32> -> vector<2048x8xf32>
    %broadcast_in_dim3A_53 = arith.constant 1.000000e+00 : f32
    %broadcast_in_dim3A_54 = vector.broadcast %broadcast_in_dim3A_53 : f32 to vector<2048x1xf32>
    %dot_general3A_55 = arith.constant dense<0.000000e+00> : vector<8x1xf32>
    %dot_general3A_56 = tpu.matmul %convert_element_type3A_46, %broadcast_in_dim3A_54, %dot_general3A_55 {dimension_numbers = #tpu.dot_dimension_numbers<[0], [0], [1], [1], [0, 1, 1, 1], [], []>, transpose_lhs_hint = false} : vector<2048x8xf32>, vector<2048x1xf32>, vector<8x1xf32> -> vector<8x1xf32>
    %add3A_57 = arith.constant 2.550000e+02 : f32
    %add3A_58 = vector.broadcast %add3A_57 : f32 to vector<8x1xf32>
    %add3A_59 = arith.addf %dot_general3A_56, %add3A_58 : vector<8x1xf32>
    %mul3A = arith.constant 3.906250e-03 : f32
    %mul3A_60 = vector.broadcast %mul3A : f32 to vector<8x1xf32>
    %mul3A_61 = arith.mulf %add3A_59, %mul3A_60 : vector<8x1xf32>
    %floor3A = math.floor %mul3A_61 : vector<8x1xf32>
    %iota3A_62 = tpu.iota {dimensions = array<i32: 0>} : vector<8x8xi32>
    %iota3A_63 = tpu.iota {dimensions = array<i32: 1>} : vector<8x8xi32>
    %le3A = arith.cmpi sle, %iota3A_63, %iota3A_62 : vector<8x8xi32>
    %convert_element_type3A_64 = arith.extui %le3A : vector<8x8xi1> to vector<8x8xi32>
    %convert_element_type3A_65 = arith.sitofp %convert_element_type3A_64 : vector<8x8xi32> to vector<8x8xf32>
    %dot_general3A_66 = arith.constant dense<0.000000e+00> : vector<8x1xf32>
    %dot_general3A_67 = tpu.matmul %convert_element_type3A_65, %floor3A, %dot_general3A_66 {dimension_numbers = #tpu.dot_dimension_numbers<[1], [0], [0], [1], [0, 0, 1, 1], [], []>, transpose_lhs_hint = false} : vector<8x8xf32>, vector<8x1xf32>, vector<8x1xf32> -> vector<8x1xf32>
    %sub3A_68 = arith.subf %dot_general3A_67, %floor3A : vector<8x1xf32>
    %mul3A_69 = arith.constant 2.560000e+02 : f32
    %mul3A_70 = vector.broadcast %mul3A_69 : f32 to vector<8x1xf32>
    %mul3A_71 = arith.mulf %sub3A_68, %mul3A_70 : vector<8x1xf32>
    %convert_element_type3A_72 = arith.extui %eq3A_19 : vector<2048x8xi1> to vector<2048x8xi32>
    %convert_element_type3A_73 = arith.sitofp %convert_element_type3A_72 : vector<2048x8xi32> to vector<2048x8xf32>
    %dot_general3A_74 = arith.constant dense<0.000000e+00> : vector<2048x1xf32>
    %dot_general3A_75 = tpu.matmul %convert_element_type3A_73, %mul3A_71, %dot_general3A_74 {dimension_numbers = #tpu.dot_dimension_numbers<[1], [0], [0], [1], [0, 0, 1, 1], [], []>, transpose_lhs_hint = false} : vector<2048x8xf32>, vector<8x1xf32>, vector<2048x1xf32> -> vector<2048x1xf32>
    %convert_element_type3A_76 = arith.extui %eq3A_30 : vector<2048x8xi1> to vector<2048x8xi32>
    %convert_element_type3A_77 = arith.sitofp %convert_element_type3A_76 : vector<2048x8xi32> to vector<2048x8xf32>
    %dot_general3A_78 = arith.constant dense<0.000000e+00> : vector<2048x1xf32>
    %dot_general3A_79 = tpu.matmul %convert_element_type3A_77, %mul3A_71, %dot_general3A_78 {dimension_numbers = #tpu.dot_dimension_numbers<[1], [0], [0], [1], [0, 0, 1, 1], [], []>, transpose_lhs_hint = false} : vector<2048x8xf32>, vector<8x1xf32>, vector<2048x1xf32> -> vector<2048x1xf32>
    %jit3A_80 = arith.constant 0.000000e+00 : f32
    %broadcast_in_dim3A_81 = vector.broadcast %jit3A_80 : f32 to vector<2048x8xf32>
    %select_n3A_82 = arith.select %eq3A_19, %dot_general3A_52, %broadcast_in_dim3A_81 : vector<2048x8xi1>, vector<2048x8xf32>
    %reduce_sum3A_83 = arith.constant dense<0.000000e+00> : vector<2048xf32>
    %reduce_sum3A_84 = vector.multi_reduction <add>, %select_n3A_82, %reduce_sum3A_83 [1] : vector<2048x8xf32> to vector<2048xf32>
    %broadcast_in_dim3A_85 = vector.shape_cast %reduce_sum3A_84 : vector<2048xf32> to vector<2048x1xf32>
    %jit3A_86 = arith.constant 0.000000e+00 : f32
    %broadcast_in_dim3A_87 = vector.broadcast %jit3A_86 : f32 to vector<2048x8xf32>
    %select_n3A_88 = arith.select %eq3A_30, %dot_general3A_52, %broadcast_in_dim3A_87 : vector<2048x8xi1>, vector<2048x8xf32>
    %reduce_sum3A_89 = arith.constant dense<0.000000e+00> : vector<2048xf32>
    %reduce_sum3A_90 = vector.multi_reduction <add>, %select_n3A_88, %reduce_sum3A_89 [1] : vector<2048x8xf32> to vector<2048xf32>
    %broadcast_in_dim3A_91 = vector.shape_cast %reduce_sum3A_90 : vector<2048xf32> to vector<2048x1xf32>
    %add3A_92 = arith.addf %dot_general3A_75, %broadcast_in_dim3A_85 : vector<2048x1xf32>
    %convert_element_type3A_93 = arith.fptosi %add3A_92 : vector<2048x1xf32> to vector<2048x1xi32>
    %swap3A_94 = arith.constant 0 : index
    %swap3A_95 = arith.constant 0 : index
    %swap3A_96 = vector.load %arg6[%swap3A_94, %swap3A_95] : memref<2048x1xi32, #tpu.memory_space<vmem>>, vector<2048x1xi32>
    tpu.vector_store %arg6[%swap3A_94, %swap3A_95], %convert_element_type3A_93 {strides = array<i32>} : memref<2048x1xi32, #tpu.memory_space<vmem>>, vector<2048x1xi32>,
    %add3A_97 = arith.addf %dot_general3A_79, %broadcast_in_dim3A_91 : vector<2048x1xf32>
    %convert_element_type3A_98 = arith.fptosi %add3A_97 : vector<2048x1xf32> to vector<2048x1xi32>
    %swap3A_99 = arith.constant 0 : index
    %swap3A_100 = arith.constant 0 : index
    %swap3A_101 = vector.load %arg7[%swap3A_99, %swap3A_100] : memref<2048x1xi32, #tpu.memory_space<vmem>>, vector<2048x1xi32>
    tpu.vector_store %arg7[%swap3A_99, %swap3A_100], %convert_element_type3A_98 {strides = array<i32>} : memref<2048x1xi32, #tpu.memory_space<vmem>>, vector<2048x1xi32>,
    %broadcast_in_dim3A_102 = arith.constant 0 : i32
    %broadcast_in_dim3A_103 = vector.broadcast %broadcast_in_dim3A_102 : i32 to vector<8x128xi32>
    %swap3A_104 = arith.constant 0 : index
    %swap3A_105 = arith.constant 0 : index
    %swap3A_106 = vector.load %arg8[%swap3A_104, %swap3A_105] : memref<8x128xi32, #tpu.memory_space<vmem>>, vector<8x128xi32>
    tpu.vector_store %arg8[%swap3A_104, %swap3A_105], %broadcast_in_dim3A_103 {strides = array<i32>} : memref<8x128xi32, #tpu.memory_space<vmem>>, vector<8x128xi32>,
    %convert_element_type3A_107 = arith.fptosi %floor3A : vector<8x1xf32> to vector<8x1xi32>
    %swap3A_108 = arith.constant 0 : index
    %swap3A_109 = arith.constant 0 : index
    %swap3A_110 = vector.load %arg8[%swap3A_108, %swap3A_109] : memref<8x128xi32, #tpu.memory_space<vmem>>, vector<8x1xi32>
    tpu.vector_store %arg8[%swap3A_108, %swap3A_109], %convert_element_type3A_107 {strides = array<i32>} : memref<8x128xi32, #tpu.memory_space<vmem>>, vector<8x1xi32>,
    %sub3A_111 = arith.subf %dot_general3A_67, %floor3A : vector<8x1xf32>
    %convert_element_type3A_112 = arith.fptosi %sub3A_111 : vector<8x1xf32> to vector<8x1xi32>
    %swap3A_113 = arith.constant 0 : index
    %swap3A_114 = arith.constant 1 : index
    %swap3A_115 = vector.load %arg8[%swap3A_113, %swap3A_114] : memref<8x128xi32, #tpu.memory_space<vmem>>, vector<8x1xi32>
    tpu.vector_store %arg8[%swap3A_113, %swap3A_114], %convert_element_type3A_112 {strides = array<i32>} : memref<8x128xi32, #tpu.memory_space<vmem>>, vector<8x1xi32>,
    return
  }
  func.func @transform_0(%arg0: i32) -> (i32, i32) {
    %c0_i32 = arith.constant 0 : i32
    %c0_i32_0 = arith.constant 0 : i32
    %c0_i32_1 = arith.constant 0 : i32
    return %c0_i32, %c0_i32_0 : i32, i32
  }
  func.func @transform_1(%arg0: i32) -> (i32, i32) {
    %c0_i32 = arith.constant 0 : i32
    %c0_i32_0 = arith.constant 0 : i32
    %c0_i32_1 = arith.constant 0 : i32
    return %c0_i32, %c0_i32_0 : i32, i32
  }
  func.func @transform_2(%arg0: i32) -> (i32, i32) {
    %c0_i32 = arith.constant 0 : i32
    %c0_i32_0 = arith.constant 0 : i32
    %c0_i32_1 = arith.constant 0 : i32
    return %c0_i32, %c0_i32_0 : i32, i32
  }
  func.func @transform_3(%arg0: i32) -> (i32, i32) {
    %c0_i32 = arith.constant 0 : i32
    %c0_i32_0 = arith.constant 0 : i32
    %c0_i32_1 = arith.constant 0 : i32
    return %c0_i32, %c0_i32_0 : i32, i32
  }
  func.func @transform_4(%arg0: i32) -> (i32, i32) {
    %c0_i32 = arith.constant 0 : i32
    %c0_i32_0 = arith.constant 0 : i32
    %c0_i32_1 = arith.constant 0 : i32
    return %c0_i32, %c0_i32_0 : i32, i32
  }
  func.func @transform_5(%arg0: i32) -> (i32, i32) {
    %c0_i32 = arith.constant 0 : i32
    %c0_i32_0 = arith.constant 0 : i32
    %c0_i32_1 = arith.constant 0 : i32
    return %c0_i32, %c0_i32_0 : i32, i32
  }
  func.func @transform_6(%arg0: i32) -> (i32, i32) {
    %c0_i32 = arith.constant 0 : i32
    %c0_i32_0 = arith.constant 0 : i32
    %c0_i32_1 = arith.constant 0 : i32
    return %c0_i32, %c0_i32_0 : i32, i32
  }
  func.func @transform_7(%arg0: i32) -> (i32, i32) {
    %c0_i32 = arith.constant 0 : i32
    %c0_i32_0 = arith.constant 0 : i32
    %c0_i32_1 = arith.constant 0 : i32
    return %c0_i32, %c0_i32_0 : i32, i32
  }
  func.func @transform_8(%arg0: i32) -> (i32, i32) {
    %c0_i32 = arith.constant 0 : i32
    %c0_i32_0 = arith.constant 0 : i32
    %c0_i32_1 = arith.constant 0 : i32
    return %c0_i32, %c0_i32_0 : i32, i32
  }
}

module attributes {stable_mosaic.version = 14 : i64} {
  func.func @_mlp_kernel(%arg0: i32, %arg1: i32, %arg2: memref<8xi32, #tpu.memory_space<smem>>, %arg3: memref<8xi32, #tpu.memory_space<smem>>, %arg4: memref<2048x1024xbf16, #tpu.memory_space<vmem>>, %arg5: memref<24x256x1xi32, #tpu.memory_space<vmem>>, %arg6: memref<24x256x1xf32, #tpu.memory_space<vmem>>, %arg7: memref<1x896x1024xbf16, #tpu.memory_space<vmem>>, %arg8: memref<1x896x1024xbf16, #tpu.memory_space<vmem>>, %arg9: memref<1x1024x896xbf16, #tpu.memory_space<vmem>>, %arg10: memref<2048x1024xf32, #tpu.memory_space<vmem>>, %arg11: memref<8x256x1024xbf16, #tpu.memory_space<vmem>>, %arg12: memref<8x256x2048xbf16, #tpu.memory_space<vmem>>, %arg13: memref<8x256x1024xf32, #tpu.memory_space<vmem>>) attributes {dimension_semantics = [#tpu.dimension_semantics<arbitrary>, #tpu.dimension_semantics<arbitrary>], iteration_bounds = array<i64: 8, 4>, scalar_prefetch = 2 : i64, scratch_operands = 3 : i64, tpu.core_type = #tpu.core_type<tc>, window_params = [{pipeline_mode = #tpu.pipeline_mode<synchronous>, transform_indices = @transform_0, window_bounds = array<i64: 2048, 1024>}, {pipeline_mode = #tpu.pipeline_mode<synchronous>, transform_indices = @transform_1, window_bounds = array<i64: 24, 256, 1>}, {pipeline_mode = #tpu.pipeline_mode<synchronous>, transform_indices = @transform_2, window_bounds = array<i64: 24, 256, 1>}, {transform_indices = @transform_3, window_bounds = array<i64: 1, 896, 1024>}, {transform_indices = @transform_4, window_bounds = array<i64: 1, 896, 1024>}, {transform_indices = @transform_5, window_bounds = array<i64: 1, 1024, 896>}, {pipeline_mode = #tpu.pipeline_mode<synchronous>, transform_indices = @transform_6, window_bounds = array<i64: 2048, 1024>}]} {
    %eq3A = arith.constant 0 : i32
    %eq3A_0 = arith.cmpi eq, %arg0, %eq3A : i32
    %eq3A_1 = arith.constant 0 : i32
    %eq3A_2 = arith.cmpi eq, %arg1, %eq3A_1 : i32
    %and3A = arith.andi %eq3A_0, %eq3A_2 : i1
    %convert_element_type3A = arith.extui %and3A : i1 to i32
    %cond3A = arith.constant 0 : i32
    %cond3A_3 = arith.cmpi ne, %convert_element_type3A, %cond3A : i32
    scf.if %cond3A_3 {
      %broadcast_in_dim3A = arith.constant 0.000000e+00 : f32
      %broadcast_in_dim3A_31 = vector.broadcast %broadcast_in_dim3A : f32 to vector<2048x1024xf32>
      %swap3A = arith.constant 0 : index
      %swap3A_32 = arith.constant 0 : index
      %swap3A_33 = vector.load %arg10[%swap3A, %swap3A_32] : memref<2048x1024xf32, #tpu.memory_space<vmem>>, vector<2048x1024xf32>
      tpu.vector_store %arg10[%swap3A, %swap3A_32], %broadcast_in_dim3A_31 {strides = array<i32>} : memref<2048x1024xf32, #tpu.memory_space<vmem>>, vector<2048x1024xf32>,
    } else {
    }
    %get3A = arith.index_cast %arg0 : i32 to index
    %get3A_4 = memref.load %arg2[%get3A] : memref<8xi32, #tpu.memory_space<smem>>
    %get3A_5 = arith.index_cast %arg0 : i32 to index
    %get3A_6 = memref.load %arg3[%get3A_5] : memref<8xi32, #tpu.memory_space<smem>>
    %get3A_7 = arith.constant 0 : index
    %get3A_8 = arith.constant 0 : index
    %get3A_9 = arith.constant 0 : index
    %get3A_10 = vector.load %arg7[%get3A_7, %get3A_8, %get3A_9] : memref<1x896x1024xbf16, #tpu.memory_space<vmem>>, vector<1x896x1024xbf16>
    %get3A_11 = vector.shape_cast %get3A_10 : vector<1x896x1024xbf16> to vector<896x1024xbf16>
    %get3A_12 = arith.constant 0 : index
    %get3A_13 = arith.constant 0 : index
    %get3A_14 = arith.constant 0 : index
    %get3A_15 = vector.load %arg8[%get3A_12, %get3A_13, %get3A_14] : memref<1x896x1024xbf16, #tpu.memory_space<vmem>>, vector<1x896x1024xbf16>
    %get3A_16 = vector.shape_cast %get3A_15 : vector<1x896x1024xbf16> to vector<896x1024xbf16>
    %get3A_17 = arith.constant 0 : index
    %get3A_18 = arith.constant 0 : index
    %get3A_19 = arith.constant 0 : index
    %get3A_20 = vector.load %arg9[%get3A_17, %get3A_18, %get3A_19] : memref<1x1024x896xbf16, #tpu.memory_space<vmem>>, vector<1x1024x896xbf16>
    %get3A_21 = vector.shape_cast %get3A_20 : vector<1x1024x896xbf16> to vector<1024x896xbf16>
    %while3A = arith.constant 0 : i32
    %while3A_22 = arith.constant 0 : i32
    %while3A_23 = arith.subi %get3A_4, %while3A_22 : i32
    %while3A_24 = arith.addi %while3A_22, %while3A_23 : i32
    %while3A_25 = arith.constant 1 : i32
    %while3A_26 = arith.divsi %while3A_23, %while3A_25 : i32
    %while3A_27 = arith.muli %while3A_26, %while3A_25 : i32
    %while3A_28 = arith.addi %while3A_22, %while3A_27 : i32
    %while3A_29 = arith.constant 1 : i32
    scf.for %while3A_31 = %while3A_22 to %while3A_28 step %while3A_29  : i32 {
      %add3A = arith.addi %get3A_6, %while3A_31 : i32
      %eq3A_32 = arith.constant 0 : i32
      %eq3A_33 = arith.cmpi eq, %arg1, %eq3A_32 : i32
      %convert_element_type3A_34 = arith.extui %eq3A_33 : i1 to i32
      %cond3A_35 = arith.constant 0 : i32
      %cond3A_36 = arith.cmpi ne, %convert_element_type3A_34, %cond3A_35 : i32
      scf.if %cond3A_36 {
        %get3A_67 = arith.index_cast %add3A : i32 to index
        %get3A_68 = arith.constant 0 : index
        %get3A_69 = arith.constant 0 : index
        %get3A_70 = vector.load %arg5[%get3A_67, %get3A_68, %get3A_69] : memref<24x256x1xi32, #tpu.memory_space<vmem>>, vector<1x256x1xi32>
        %squeeze3A_71 = vector.shape_cast %get3A_70 : vector<1x256x1xi32> to vector<256x1xi32>
        %iota3A = tpu.iota {dimensions = array<i32: 1>} : vector<256x2048xi32>
        %eq3A_72 = vector.broadcast %squeeze3A_71 : vector<256x1xi32> to vector<256x2048xi32>
        %eq3A_73 = arith.cmpi eq, %iota3A, %eq3A_72 : vector<256x2048xi32>
        %convert_element_type3A_74 = arith.extui %eq3A_73 : vector<256x2048xi1> to vector<256x2048xi32>
        %convert_element_type3A_75 = arith.sitofp %convert_element_type3A_74 : vector<256x2048xi32> to vector<256x2048xf32>
        %convert_element_type3A_76 = arith.truncf %convert_element_type3A_75 : vector<256x2048xf32> to vector<256x2048xbf16>
        %reshape3A = vector.shape_cast %convert_element_type3A_76 : vector<256x2048xbf16> to vector<1x256x2048xbf16>
        %swap3A = arith.index_cast %while3A_31 : i32 to index
        %swap3A_77 = arith.constant 0 : index
        %swap3A_78 = arith.constant 0 : index
        %swap3A_79 = vector.load %arg12[%swap3A, %swap3A_77, %swap3A_78] : memref<8x256x2048xbf16, #tpu.memory_space<vmem>>, vector<1x256x2048xbf16>
        tpu.vector_store %arg12[%swap3A, %swap3A_77, %swap3A_78], %reshape3A {strides = array<i32>} : memref<8x256x2048xbf16, #tpu.memory_space<vmem>>, vector<1x256x2048xbf16>,
        %get3A_80 = arith.constant 0 : index
        %get3A_81 = arith.constant 0 : index
        %get3A_82 = vector.load %arg4[%get3A_80, %get3A_81] : memref<2048x1024xbf16, #tpu.memory_space<vmem>>, vector<2048x1024xbf16>
        %dot_general3A_83 = arith.constant dense<0.000000e+00> : vector<256x1024xf32>
        %dot_general3A_84 = tpu.matmul %convert_element_type3A_76, %get3A_82, %dot_general3A_83 {dimension_numbers = #tpu.dot_dimension_numbers<[1], [0], [0], [1], [0, 0, 1, 1], [], []>, transpose_lhs_hint = false} : vector<256x2048xbf16>, vector<2048x1024xbf16>, vector<256x1024xf32> -> vector<256x1024xf32>
        %convert_element_type3A_85 = arith.truncf %dot_general3A_84 : vector<256x1024xf32> to vector<256x1024xbf16>
        %reshape3A_86 = vector.shape_cast %convert_element_type3A_85 : vector<256x1024xbf16> to vector<1x256x1024xbf16>
        %swap3A_87 = arith.index_cast %while3A_31 : i32 to index
        %swap3A_88 = arith.constant 0 : index
        %swap3A_89 = arith.constant 0 : index
        %swap3A_90 = vector.load %arg11[%swap3A_87, %swap3A_88, %swap3A_89] : memref<8x256x1024xbf16, #tpu.memory_space<vmem>>, vector<1x256x1024xbf16>
        tpu.vector_store %arg11[%swap3A_87, %swap3A_88, %swap3A_89], %reshape3A_86 {strides = array<i32>} : memref<8x256x1024xbf16, #tpu.memory_space<vmem>>, vector<1x256x1024xbf16>,
      } else {
      }
      %get3A_37 = arith.index_cast %while3A_31 : i32 to index
      %get3A_38 = arith.constant 0 : index
      %get3A_39 = arith.constant 0 : index
      %get3A_40 = vector.load %arg11[%get3A_37, %get3A_38, %get3A_39] : memref<8x256x1024xbf16, #tpu.memory_space<vmem>>, vector<1x256x1024xbf16>
      %squeeze3A = vector.shape_cast %get3A_40 : vector<1x256x1024xbf16> to vector<256x1024xbf16>
      %dot_general3A = arith.constant dense<0.000000e+00> : vector<256x896xf32>
      %dot_general3A_41 = tpu.matmul %squeeze3A, %get3A_11, %dot_general3A {dimension_numbers = #tpu.dot_dimension_numbers<[1], [1], [0], [0], [0, 0, 1, 0], [], []>, transpose_lhs_hint = false} : vector<256x1024xbf16>, vector<896x1024xbf16>, vector<256x896xf32> -> vector<256x896xf32>
      %dot_general3A_42 = arith.constant dense<0.000000e+00> : vector<256x896xf32>
      %dot_general3A_43 = tpu.matmul %squeeze3A, %get3A_16, %dot_general3A_42 {dimension_numbers = #tpu.dot_dimension_numbers<[1], [1], [0], [0], [0, 0, 1, 0], [], []>, transpose_lhs_hint = false} : vector<256x1024xbf16>, vector<896x1024xbf16>, vector<256x896xf32> -> vector<256x896xf32>
      %logistic3A = arith.negf %dot_general3A_41 : vector<256x896xf32>
      %logistic3A_44 = math.exp %logistic3A : vector<256x896xf32>
      %logistic3A_45 = arith.constant 1.000000e+00 : f32
      %logistic3A_46 = vector.broadcast %logistic3A_45 : f32 to vector<256x896xf32>
      %logistic3A_47 = arith.addf %logistic3A_46, %logistic3A_44 : vector<256x896xf32>
      %logistic3A_48 = arith.divf %logistic3A_46, %logistic3A_47 : vector<256x896xf32>
      %mul3A = arith.mulf %dot_general3A_41, %logistic3A_48 : vector<256x896xf32>
      %mul3A_49 = arith.mulf %mul3A, %dot_general3A_43 : vector<256x896xf32>
      %convert_element_type3A_50 = arith.truncf %mul3A_49 : vector<256x896xf32> to vector<256x896xbf16>
      %dot_general3A_51 = arith.constant dense<0.000000e+00> : vector<256x1024xf32>
      %dot_general3A_52 = tpu.matmul %convert_element_type3A_50, %get3A_21, %dot_general3A_51 {dimension_numbers = #tpu.dot_dimension_numbers<[1], [1], [0], [0], [0, 0, 1, 0], [], []>, transpose_lhs_hint = false} : vector<256x896xbf16>, vector<1024x896xbf16>, vector<256x1024xf32> -> vector<256x1024xf32>
      %eq3A_53 = arith.constant 0 : i32
      %eq3A_54 = arith.cmpi eq, %arg1, %eq3A_53 : i32
      %convert_element_type3A_55 = arith.extui %eq3A_54 : i1 to i32
      %cond3A_56 = arith.constant 0 : i32
      %cond3A_57 = arith.cmpi ne, %convert_element_type3A_55, %cond3A_56 : i32
      scf.if %cond3A_57 {
        %reshape3A = vector.shape_cast %dot_general3A_52 : vector<256x1024xf32> to vector<1x256x1024xf32>
        %swap3A = arith.index_cast %while3A_31 : i32 to index
        %swap3A_67 = arith.constant 0 : index
        %swap3A_68 = arith.constant 0 : index
        %swap3A_69 = vector.load %arg13[%swap3A, %swap3A_67, %swap3A_68] : memref<8x256x1024xf32, #tpu.memory_space<vmem>>, vector<1x256x1024xf32>
        tpu.vector_store %arg13[%swap3A, %swap3A_67, %swap3A_68], %reshape3A {strides = array<i32>} : memref<8x256x1024xf32, #tpu.memory_space<vmem>>, vector<1x256x1024xf32>,
      } else {
      }
      %ne3A = arith.constant 0 : i32
      %ne3A_58 = arith.cmpi ne, %arg1, %ne3A : i32
      %convert_element_type3A_59 = arith.extui %ne3A_58 : i1 to i32
      %cond3A_60 = arith.constant 0 : i32
      %cond3A_61 = arith.cmpi ne, %convert_element_type3A_59, %cond3A_60 : i32
      scf.if %cond3A_61 {
        %get3A_67 = arith.index_cast %while3A_31 : i32 to index
        %get3A_68 = arith.constant 0 : index
        %get3A_69 = arith.constant 0 : index
        %get3A_70 = vector.load %arg13[%get3A_67, %get3A_68, %get3A_69] : memref<8x256x1024xf32, #tpu.memory_space<vmem>>, vector<1x256x1024xf32>
        %reshape3A = vector.shape_cast %dot_general3A_52 : vector<256x1024xf32> to vector<1x256x1024xf32>
        %add3A_71 = arith.addf %get3A_70, %reshape3A : vector<1x256x1024xf32>
        %swap3A = arith.index_cast %while3A_31 : i32 to index
        %swap3A_72 = arith.constant 0 : index
        %swap3A_73 = arith.constant 0 : index
        %swap3A_74 = vector.load %arg13[%swap3A, %swap3A_72, %swap3A_73] : memref<8x256x1024xf32, #tpu.memory_space<vmem>>, vector<1x256x1024xf32>
        tpu.vector_store %arg13[%swap3A, %swap3A_72, %swap3A_73], %add3A_71 {strides = array<i32>} : memref<8x256x1024xf32, #tpu.memory_space<vmem>>, vector<1x256x1024xf32>,
      } else {
      }
      %eq3A_62 = arith.constant 3 : i32
      %eq3A_63 = arith.cmpi eq, %arg1, %eq3A_62 : i32
      %convert_element_type3A_64 = arith.extui %eq3A_63 : i1 to i32
      %cond3A_65 = arith.constant 0 : i32
      %cond3A_66 = arith.cmpi ne, %convert_element_type3A_64, %cond3A_65 : i32
      scf.if %cond3A_66 {
        %get3A_67 = arith.index_cast %add3A : i32 to index
        %get3A_68 = arith.constant 0 : index
        %get3A_69 = arith.constant 0 : index
        %get3A_70 = vector.load %arg6[%get3A_67, %get3A_68, %get3A_69] : memref<24x256x1xf32, #tpu.memory_space<vmem>>, vector<1x256x1xf32>
        %squeeze3A_71 = vector.shape_cast %get3A_70 : vector<1x256x1xf32> to vector<256x1xf32>
        %get3A_72 = arith.index_cast %while3A_31 : i32 to index
        %get3A_73 = arith.constant 0 : index
        %get3A_74 = arith.constant 0 : index
        %get3A_75 = vector.load %arg13[%get3A_72, %get3A_73, %get3A_74] : memref<8x256x1024xf32, #tpu.memory_space<vmem>>, vector<1x256x1024xf32>
        %squeeze3A_76 = vector.shape_cast %get3A_75 : vector<1x256x1024xf32> to vector<256x1024xf32>
        %mul3A_77 = vector.broadcast %squeeze3A_71 : vector<256x1xf32> to vector<256x1024xf32>
        %mul3A_78 = arith.mulf %squeeze3A_76, %mul3A_77 : vector<256x1024xf32>
        %convert_element_type3A_79 = arith.truncf %mul3A_78 : vector<256x1024xf32> to vector<256x1024xbf16>
        %get3A_80 = arith.index_cast %while3A_31 : i32 to index
        %get3A_81 = arith.constant 0 : index
        %get3A_82 = arith.constant 0 : index
        %get3A_83 = vector.load %arg12[%get3A_80, %get3A_81, %get3A_82] : memref<8x256x2048xbf16, #tpu.memory_space<vmem>>, vector<1x256x2048xbf16>
        %squeeze3A_84 = vector.shape_cast %get3A_83 : vector<1x256x2048xbf16> to vector<256x2048xbf16>
        %get3A_85 = arith.constant 0 : index
        %get3A_86 = arith.constant 0 : index
        %get3A_87 = vector.load %arg10[%get3A_85, %get3A_86] : memref<2048x1024xf32, #tpu.memory_space<vmem>>, vector<2048x1024xf32>
        %dot_general3A_88 = arith.constant dense<0.000000e+00> : vector<2048x1024xf32>
        %dot_general3A_89 = tpu.matmul %squeeze3A_84, %convert_element_type3A_79, %dot_general3A_88 {dimension_numbers = #tpu.dot_dimension_numbers<[0], [0], [1], [1], [0, 1, 1, 1], [], []>, transpose_lhs_hint = false} : vector<256x2048xbf16>, vector<256x1024xbf16>, vector<2048x1024xf32> -> vector<2048x1024xf32>
        %add3A_90 = arith.addf %get3A_87, %dot_general3A_89 : vector<2048x1024xf32>
        %swap3A = arith.constant 0 : index
        %swap3A_91 = arith.constant 0 : index
        %swap3A_92 = vector.load %arg10[%swap3A, %swap3A_91] : memref<2048x1024xf32, #tpu.memory_space<vmem>>, vector<2048x1024xf32>
        tpu.vector_store %arg10[%swap3A, %swap3A_91], %add3A_90 {strides = array<i32>} : memref<2048x1024xf32, #tpu.memory_space<vmem>>, vector<2048x1024xf32>,
      } else {
      }
    }
    %while3A_30 = arith.constant 1 : i32
    scf.for %while3A_31 = %while3A_28 to %while3A_24 step %while3A_30  : i32 {
      %add3A = arith.addi %get3A_6, %while3A_31 : i32
      %eq3A_32 = arith.constant 0 : i32
      %eq3A_33 = arith.cmpi eq, %arg1, %eq3A_32 : i32
      %convert_element_type3A_34 = arith.extui %eq3A_33 : i1 to i32
      %cond3A_35 = arith.constant 0 : i32
      %cond3A_36 = arith.cmpi ne, %convert_element_type3A_34, %cond3A_35 : i32
      scf.if %cond3A_36 {
        %get3A_67 = arith.index_cast %add3A : i32 to index
        %get3A_68 = arith.constant 0 : index
        %get3A_69 = arith.constant 0 : index
        %get3A_70 = vector.load %arg5[%get3A_67, %get3A_68, %get3A_69] : memref<24x256x1xi32, #tpu.memory_space<vmem>>, vector<1x256x1xi32>
        %squeeze3A_71 = vector.shape_cast %get3A_70 : vector<1x256x1xi32> to vector<256x1xi32>
        %iota3A = tpu.iota {dimensions = array<i32: 1>} : vector<256x2048xi32>
        %eq3A_72 = vector.broadcast %squeeze3A_71 : vector<256x1xi32> to vector<256x2048xi32>
        %eq3A_73 = arith.cmpi eq, %iota3A, %eq3A_72 : vector<256x2048xi32>
        %convert_element_type3A_74 = arith.extui %eq3A_73 : vector<256x2048xi1> to vector<256x2048xi32>
        %convert_element_type3A_75 = arith.sitofp %convert_element_type3A_74 : vector<256x2048xi32> to vector<256x2048xf32>
        %convert_element_type3A_76 = arith.truncf %convert_element_type3A_75 : vector<256x2048xf32> to vector<256x2048xbf16>
        %reshape3A = vector.shape_cast %convert_element_type3A_76 : vector<256x2048xbf16> to vector<1x256x2048xbf16>
        %swap3A = arith.index_cast %while3A_31 : i32 to index
        %swap3A_77 = arith.constant 0 : index
        %swap3A_78 = arith.constant 0 : index
        %swap3A_79 = vector.load %arg12[%swap3A, %swap3A_77, %swap3A_78] : memref<8x256x2048xbf16, #tpu.memory_space<vmem>>, vector<1x256x2048xbf16>
        tpu.vector_store %arg12[%swap3A, %swap3A_77, %swap3A_78], %reshape3A {strides = array<i32>} : memref<8x256x2048xbf16, #tpu.memory_space<vmem>>, vector<1x256x2048xbf16>,
        %get3A_80 = arith.constant 0 : index
        %get3A_81 = arith.constant 0 : index
        %get3A_82 = vector.load %arg4[%get3A_80, %get3A_81] : memref<2048x1024xbf16, #tpu.memory_space<vmem>>, vector<2048x1024xbf16>
        %dot_general3A_83 = arith.constant dense<0.000000e+00> : vector<256x1024xf32>
        %dot_general3A_84 = tpu.matmul %convert_element_type3A_76, %get3A_82, %dot_general3A_83 {dimension_numbers = #tpu.dot_dimension_numbers<[1], [0], [0], [1], [0, 0, 1, 1], [], []>, transpose_lhs_hint = false} : vector<256x2048xbf16>, vector<2048x1024xbf16>, vector<256x1024xf32> -> vector<256x1024xf32>
        %convert_element_type3A_85 = arith.truncf %dot_general3A_84 : vector<256x1024xf32> to vector<256x1024xbf16>
        %reshape3A_86 = vector.shape_cast %convert_element_type3A_85 : vector<256x1024xbf16> to vector<1x256x1024xbf16>
        %swap3A_87 = arith.index_cast %while3A_31 : i32 to index
        %swap3A_88 = arith.constant 0 : index
        %swap3A_89 = arith.constant 0 : index
        %swap3A_90 = vector.load %arg11[%swap3A_87, %swap3A_88, %swap3A_89] : memref<8x256x1024xbf16, #tpu.memory_space<vmem>>, vector<1x256x1024xbf16>
        tpu.vector_store %arg11[%swap3A_87, %swap3A_88, %swap3A_89], %reshape3A_86 {strides = array<i32>} : memref<8x256x1024xbf16, #tpu.memory_space<vmem>>, vector<1x256x1024xbf16>,
      } else {
      }
      %get3A_37 = arith.index_cast %while3A_31 : i32 to index
      %get3A_38 = arith.constant 0 : index
      %get3A_39 = arith.constant 0 : index
      %get3A_40 = vector.load %arg11[%get3A_37, %get3A_38, %get3A_39] : memref<8x256x1024xbf16, #tpu.memory_space<vmem>>, vector<1x256x1024xbf16>
      %squeeze3A = vector.shape_cast %get3A_40 : vector<1x256x1024xbf16> to vector<256x1024xbf16>
      %dot_general3A = arith.constant dense<0.000000e+00> : vector<256x896xf32>
      %dot_general3A_41 = tpu.matmul %squeeze3A, %get3A_11, %dot_general3A {dimension_numbers = #tpu.dot_dimension_numbers<[1], [1], [0], [0], [0, 0, 1, 0], [], []>, transpose_lhs_hint = false} : vector<256x1024xbf16>, vector<896x1024xbf16>, vector<256x896xf32> -> vector<256x896xf32>
      %dot_general3A_42 = arith.constant dense<0.000000e+00> : vector<256x896xf32>
      %dot_general3A_43 = tpu.matmul %squeeze3A, %get3A_16, %dot_general3A_42 {dimension_numbers = #tpu.dot_dimension_numbers<[1], [1], [0], [0], [0, 0, 1, 0], [], []>, transpose_lhs_hint = false} : vector<256x1024xbf16>, vector<896x1024xbf16>, vector<256x896xf32> -> vector<256x896xf32>
      %logistic3A = arith.negf %dot_general3A_41 : vector<256x896xf32>
      %logistic3A_44 = math.exp %logistic3A : vector<256x896xf32>
      %logistic3A_45 = arith.constant 1.000000e+00 : f32
      %logistic3A_46 = vector.broadcast %logistic3A_45 : f32 to vector<256x896xf32>
      %logistic3A_47 = arith.addf %logistic3A_46, %logistic3A_44 : vector<256x896xf32>
      %logistic3A_48 = arith.divf %logistic3A_46, %logistic3A_47 : vector<256x896xf32>
      %mul3A = arith.mulf %dot_general3A_41, %logistic3A_48 : vector<256x896xf32>
      %mul3A_49 = arith.mulf %mul3A, %dot_general3A_43 : vector<256x896xf32>
      %convert_element_type3A_50 = arith.truncf %mul3A_49 : vector<256x896xf32> to vector<256x896xbf16>
      %dot_general3A_51 = arith.constant dense<0.000000e+00> : vector<256x1024xf32>
      %dot_general3A_52 = tpu.matmul %convert_element_type3A_50, %get3A_21, %dot_general3A_51 {dimension_numbers = #tpu.dot_dimension_numbers<[1], [1], [0], [0], [0, 0, 1, 0], [], []>, transpose_lhs_hint = false} : vector<256x896xbf16>, vector<1024x896xbf16>, vector<256x1024xf32> -> vector<256x1024xf32>
      %eq3A_53 = arith.constant 0 : i32
      %eq3A_54 = arith.cmpi eq, %arg1, %eq3A_53 : i32
      %convert_element_type3A_55 = arith.extui %eq3A_54 : i1 to i32
      %cond3A_56 = arith.constant 0 : i32
      %cond3A_57 = arith.cmpi ne, %convert_element_type3A_55, %cond3A_56 : i32
      scf.if %cond3A_57 {
        %reshape3A = vector.shape_cast %dot_general3A_52 : vector<256x1024xf32> to vector<1x256x1024xf32>
        %swap3A = arith.index_cast %while3A_31 : i32 to index
        %swap3A_67 = arith.constant 0 : index
        %swap3A_68 = arith.constant 0 : index
        %swap3A_69 = vector.load %arg13[%swap3A, %swap3A_67, %swap3A_68] : memref<8x256x1024xf32, #tpu.memory_space<vmem>>, vector<1x256x1024xf32>
        tpu.vector_store %arg13[%swap3A, %swap3A_67, %swap3A_68], %reshape3A {strides = array<i32>} : memref<8x256x1024xf32, #tpu.memory_space<vmem>>, vector<1x256x1024xf32>,
      } else {
      }
      %ne3A = arith.constant 0 : i32
      %ne3A_58 = arith.cmpi ne, %arg1, %ne3A : i32
      %convert_element_type3A_59 = arith.extui %ne3A_58 : i1 to i32
      %cond3A_60 = arith.constant 0 : i32
      %cond3A_61 = arith.cmpi ne, %convert_element_type3A_59, %cond3A_60 : i32
      scf.if %cond3A_61 {
        %get3A_67 = arith.index_cast %while3A_31 : i32 to index
        %get3A_68 = arith.constant 0 : index
        %get3A_69 = arith.constant 0 : index
        %get3A_70 = vector.load %arg13[%get3A_67, %get3A_68, %get3A_69] : memref<8x256x1024xf32, #tpu.memory_space<vmem>>, vector<1x256x1024xf32>
        %reshape3A = vector.shape_cast %dot_general3A_52 : vector<256x1024xf32> to vector<1x256x1024xf32>
        %add3A_71 = arith.addf %get3A_70, %reshape3A : vector<1x256x1024xf32>
        %swap3A = arith.index_cast %while3A_31 : i32 to index
        %swap3A_72 = arith.constant 0 : index
        %swap3A_73 = arith.constant 0 : index
        %swap3A_74 = vector.load %arg13[%swap3A, %swap3A_72, %swap3A_73] : memref<8x256x1024xf32, #tpu.memory_space<vmem>>, vector<1x256x1024xf32>
        tpu.vector_store %arg13[%swap3A, %swap3A_72, %swap3A_73], %add3A_71 {strides = array<i32>} : memref<8x256x1024xf32, #tpu.memory_space<vmem>>, vector<1x256x1024xf32>,
      } else {
      }
      %eq3A_62 = arith.constant 3 : i32
      %eq3A_63 = arith.cmpi eq, %arg1, %eq3A_62 : i32
      %convert_element_type3A_64 = arith.extui %eq3A_63 : i1 to i32
      %cond3A_65 = arith.constant 0 : i32
      %cond3A_66 = arith.cmpi ne, %convert_element_type3A_64, %cond3A_65 : i32
      scf.if %cond3A_66 {
        %get3A_67 = arith.index_cast %add3A : i32 to index
        %get3A_68 = arith.constant 0 : index
        %get3A_69 = arith.constant 0 : index
        %get3A_70 = vector.load %arg6[%get3A_67, %get3A_68, %get3A_69] : memref<24x256x1xf32, #tpu.memory_space<vmem>>, vector<1x256x1xf32>
        %squeeze3A_71 = vector.shape_cast %get3A_70 : vector<1x256x1xf32> to vector<256x1xf32>
        %get3A_72 = arith.index_cast %while3A_31 : i32 to index
        %get3A_73 = arith.constant 0 : index
        %get3A_74 = arith.constant 0 : index
        %get3A_75 = vector.load %arg13[%get3A_72, %get3A_73, %get3A_74] : memref<8x256x1024xf32, #tpu.memory_space<vmem>>, vector<1x256x1024xf32>
        %squeeze3A_76 = vector.shape_cast %get3A_75 : vector<1x256x1024xf32> to vector<256x1024xf32>
        %mul3A_77 = vector.broadcast %squeeze3A_71 : vector<256x1xf32> to vector<256x1024xf32>
        %mul3A_78 = arith.mulf %squeeze3A_76, %mul3A_77 : vector<256x1024xf32>
        %convert_element_type3A_79 = arith.truncf %mul3A_78 : vector<256x1024xf32> to vector<256x1024xbf16>
        %get3A_80 = arith.index_cast %while3A_31 : i32 to index
        %get3A_81 = arith.constant 0 : index
        %get3A_82 = arith.constant 0 : index
        %get3A_83 = vector.load %arg12[%get3A_80, %get3A_81, %get3A_82] : memref<8x256x2048xbf16, #tpu.memory_space<vmem>>, vector<1x256x2048xbf16>
        %squeeze3A_84 = vector.shape_cast %get3A_83 : vector<1x256x2048xbf16> to vector<256x2048xbf16>
        %get3A_85 = arith.constant 0 : index
        %get3A_86 = arith.constant 0 : index
        %get3A_87 = vector.load %arg10[%get3A_85, %get3A_86] : memref<2048x1024xf32, #tpu.memory_space<vmem>>, vector<2048x1024xf32>
        %dot_general3A_88 = arith.constant dense<0.000000e+00> : vector<2048x1024xf32>
        %dot_general3A_89 = tpu.matmul %squeeze3A_84, %convert_element_type3A_79, %dot_general3A_88 {dimension_numbers = #tpu.dot_dimension_numbers<[0], [0], [1], [1], [0, 1, 1, 1], [], []>, transpose_lhs_hint = false} : vector<256x2048xbf16>, vector<256x1024xbf16>, vector<2048x1024xf32> -> vector<2048x1024xf32>
        %add3A_90 = arith.addf %get3A_87, %dot_general3A_89 : vector<2048x1024xf32>
        %swap3A = arith.constant 0 : index
        %swap3A_91 = arith.constant 0 : index
        %swap3A_92 = vector.load %arg10[%swap3A, %swap3A_91] : memref<2048x1024xf32, #tpu.memory_space<vmem>>, vector<2048x1024xf32>
        tpu.vector_store %arg10[%swap3A, %swap3A_91], %add3A_90 {strides = array<i32>} : memref<2048x1024xf32, #tpu.memory_space<vmem>>, vector<2048x1024xf32>,
      } else {
      }
    }
    return
  }
  func.func @transform_0(%arg0: i32, %arg1: i32, %arg2: memref<8xi32, #tpu.memory_space<smem>>, %arg3: memref<8xi32, #tpu.memory_space<smem>>) -> (i32, i32) {
    %c0_i32 = arith.constant 0 : i32
    %c0_i32_0 = arith.constant 0 : i32
    %c0_i32_1 = arith.constant 0 : i32
    return %c0_i32, %c0_i32_0 : i32, i32
  }
  func.func @transform_1(%arg0: i32, %arg1: i32, %arg2: memref<8xi32, #tpu.memory_space<smem>>, %arg3: memref<8xi32, #tpu.memory_space<smem>>) -> (i32, i32, i32) {
    %c0_i32 = arith.constant 0 : i32
    %c0_i32_0 = arith.constant 0 : i32
    %c0_i32_1 = arith.constant 0 : i32
    %c0_i32_2 = arith.constant 0 : i32
    return %c0_i32, %c0_i32_0, %c0_i32_1 : i32, i32, i32
  }
  func.func @transform_2(%arg0: i32, %arg1: i32, %arg2: memref<8xi32, #tpu.memory_space<smem>>, %arg3: memref<8xi32, #tpu.memory_space<smem>>) -> (i32, i32, i32) {
    %c0_i32 = arith.constant 0 : i32
    %c0_i32_0 = arith.constant 0 : i32
    %c0_i32_1 = arith.constant 0 : i32
    %c0_i32_2 = arith.constant 0 : i32
    return %c0_i32, %c0_i32_0, %c0_i32_1 : i32, i32, i32
  }
  func.func @transform_3(%arg0: i32, %arg1: i32, %arg2: memref<8xi32, #tpu.memory_space<smem>>, %arg3: memref<8xi32, #tpu.memory_space<smem>>) -> (i32, i32, i32) {
    %c0_i32 = arith.constant 0 : i32
    %c0_i32_0 = arith.constant 0 : i32
    return %arg0, %arg1, %c0_i32 : i32, i32, i32
  }
  func.func @transform_4(%arg0: i32, %arg1: i32, %arg2: memref<8xi32, #tpu.memory_space<smem>>, %arg3: memref<8xi32, #tpu.memory_space<smem>>) -> (i32, i32, i32) {
    %c0_i32 = arith.constant 0 : i32
    %c0_i32_0 = arith.constant 0 : i32
    return %arg0, %arg1, %c0_i32 : i32, i32, i32
  }
  func.func @transform_5(%arg0: i32, %arg1: i32, %arg2: memref<8xi32, #tpu.memory_space<smem>>, %arg3: memref<8xi32, #tpu.memory_space<smem>>) -> (i32, i32, i32) {
    %c0_i32 = arith.constant 0 : i32
    %c0_i32_0 = arith.constant 0 : i32
    return %arg0, %c0_i32, %arg1 : i32, i32, i32
  }
  func.func @transform_6(%arg0: i32, %arg1: i32, %arg2: memref<8xi32, #tpu.memory_space<smem>>, %arg3: memref<8xi32, #tpu.memory_space<smem>>) -> (i32, i32) {
    %c0_i32 = arith.constant 0 : i32
    %c0_i32_0 = arith.constant 0 : i32
    %c0_i32_1 = arith.constant 0 : i32
    return %c0_i32, %c0_i32_0 : i32, i32
  }
}

</mosaic_0001>

<sc_bundles>
// kernel: kernel.5.cloned.1.call-start
scs
__scs_entry_jumppad:
0x0: {  	(pc) =	sbr.rel $0x88, $3  }
0x1: {  	(tag) =	ssettag $0x0;
	lr =	simm.s32 $0x1  }
0x2: {  	[smem:$0x3F9C] =	sst lr;
	_ =	strace $0xD0000000  }
0x3: {  	_ = 	snop  }
0x4: {  	_ = 	snop  }
0x5: {  	_ = 	snop  }
0x6: {  	_ = 	snop  }
0x7: {  	_ = 	snop  }
__scs_overlays_trampoline_lowered:
0x8: {  	[smem:$0x3FAB] =	sst s0  }
0x9: {  	[smem:$0x3FAC] =	sst s1  }
0xa: {  	[smem:$0x3FAD] =	sst s2  }
0xb: {  	[smem:$0x3FAE] =	sst s3  }
0xc: {  	[smem:$0x3FAF] =	sst s4  }
0xd: {  	[smem:$0x3FB0] =	sst s5  }
0xe: {  	[smem:$0x3FB1] =	sst s6  }
0xf: {  	[smem:$0x3FB2] =	sst s7  }
0x10: {  	[smem:$0x3FB3] =	sst s8  }
0x11: {  	[smem:$0x3FB4] =	sst s9;
	s0 =	simm.s32 @!p0 $0x0  }
0x12: {  	s1 =	sld [smem:$0x3F9A];
	s0 =	simm.s32 @p0 $0x1  }
0x13: {  	[smem:$0x3FB5] =	sst s0;
	s0 =	simm.s32 @!p1 $0x0  }
0x14: {  	s2 =	sld [smem:$0x3F99];
	s0 =	simm.s32 @p1 $0x1  }
0x15: {  	[smem:$0x3FB6] =	sst s0;
	s0 =	simm.s32 @!p2 $0x0  }
0x16: {  	s3 =	sld [smem:$0x3FDB];
	s0 =	simm.s32 @p2 $0x1  }
0x17: {  	s4 =	simm.s32 $0x1BF5;
	[smem:$0x3FB8] =	sst s0  }
0x18: {  	s0 =	sld [smem:$0x3F9B];
	_ =	swait.ge [sflag:s4], $0x0  }
0x19: {  	s7 =	sld [smem:$0x3F9C]  }
0x1a: {  	s8 =	sadd.s32 $0xFFFFE003, lr  }
0x1b: {  	s9 =	sadd.s32 $0xFFFFFEF7, lr;
	s5 =	simm.s32 $0xFFFFFFFF;
	p2 =	slt.u32 s8, $0xFFFFF086  }
0x1c: {  	p1 =	slt.u32 s9, $0xF7A;
	s5 =	simm.s32 @!p2 $0x0  }
0x1d: {  	s5 =	simm.s32 @p1 $0x1;
	p0 =	seq.s32 s7, s2  }
0x1e: {  	s7 =	smul.u32 @!p0 $0xF7A, s2;
	p2 =	seq.s32 @!p0 s5, $0x0  }
0x1f: {  	s9 =	smul.u32 $0xF7A, s1;
	s8 =	simm.s32 @!p0 $0x1BF5;
	p2 =	por !p2, p0  }
0x20: {  	[sflag:s8] =	ssyncset.s32 @!p0 $0xFFFFF086;
	s6 =	sadd.s32 @!p0 s3, s7;
	s7 =	simm.s32 @!p0 $0x108  }
0x21: {  	s3 =	sadd.s32 s3, s9;
	s6 =	sadd.s32 @!p0 $0x88, s6;
	s7 =	simm.s32 @p2 $0x1082  }
0x22: {  	[simem:s7], [sflag:s8] =	dma.local @!p0 [hbm:s6], $0xF7A  }
0x23: {  	s9 =	sor.u32 $0xD0000000, s2;
	s6 =	simm.s32 $0x108;
	_ =	swait.ge @!p0 [sflag:s8], $0x0  }
0x24: {  	s3 =	sadd.s32 $0x88, s3;
	s6 =	simm.s32 @!p1 $0x1082;
	[sflag:s4] =	ssyncset.s32 $0xFFFFF086  }
0x25: {  	[simem:s6], [sflag:s4] =	dma.local [hbm:s3], $0xF7A  }
0x26: {  	[smem:$0x3F9C] =	sst s1;
	(tag) =	ssettag s2;
	_ =	strace s9  }
0x27: {  	s1 =	sld [smem:$0x3FAC]  }
0x28: {  	s2 =	sld [smem:$0x3FAD]  }
0x29: {  	s4 =	sld [smem:$0x3FAF]  }
0x2a: {  	p0 =	seq.s32 s5, $0x0;
	s5 =	sld [smem:$0x3FB0]  }
0x2b: {  	s6 =	sld [smem:$0x3FB1]  }
0x2c: {  	s7 =	sld [smem:$0x3FB2]  }
0x2d: {  	s3 =	simm.s32 $0x108;
	s8 =	sld [smem:$0x3FB3]  }
0x2e: {  	s3 =	simm.s32 @!p0 $0x1082;
	s9 =	sld [smem:$0x3FB4]  }
0x2f: {  	lr =	sadd.s32 s0, s3;
	s0 =	sld [smem:$0x3FAB]  }
0x30: {  	s3 =	sld [smem:$0x3FAE]  }
0x31: {  	[smem:$0x3FB7] =	sst s10  }
0x32: {  	s10 =	sld [smem:$0x3FB5];
	_ =	sdelay $0x3  }
0x33: {  	p0 =	seq.s32 s10, $0x1;
	s10 =	sld [smem:$0x3FB7];
	_ =	sdelay $0x3  }
0x34: {  	[smem:$0x3FB7] =	sst s10  }
0x35: {  	s10 =	sld [smem:$0x3FB6];
	_ =	sdelay $0x3  }
0x36: {  	p1 =	seq.s32 s10, $0x1;
	s10 =	sld [smem:$0x3FB7];
	_ =	sdelay $0x3  }
0x37: {  	[smem:$0x3FB7] =	sst s10  }
0x38: {  	s10 =	sld [smem:$0x3FB8]  }
0x39: {  	_ = 	snop;
	(pc) =	sbr.ind lr, $3  }
0x3a: {  	_ = 	snop  }
0x3b: {  	_ = 	snop  }
0x3c: {  	p2 =	seq.s32 s10, $0x1;
	s10 =	sld [smem:$0x3FB7]  }
0x3d: {  	_ =	shalt  }
0x3e: {  	_ =	shalt  }
0x3f: {  	_ =	shalt  }
0x40: {  	_ =	shalt  }
0x41: {  	_ =	shalt  }
0x42: {  	_ =	shalt  }
0x43: {  	_ =	shalt  }
0x44: {  	_ =	shalt  }
0x45: {  	_ =	shalt  }
0x46: {  	_ =	shalt  }
0x47: {  	_ =	shalt  }
0x48: {  	_ =	shalt  }
0x49: {  	_ =	shalt  }
0x4a: {  	_ =	shalt  }
0x4b: {  	_ =	shalt  }
0x4c: {  	_ =	shalt  }
0x4d: {  	_ =	shalt  }
0x4e: {  	_ =	shalt  }
0x4f: {  	_ =	shalt  }
0x50: {  	_ =	shalt  }
0x51: {  	_ =	shalt  }
0x52: {  	_ =	shalt  }
0x53: {  	_ =	shalt  }
0x54: {  	_ =	shalt  }
0x55: {  	_ =	shalt  }
0x56: {  	_ =	shalt  }
0x57: {  	_ =	shalt  }
0x58: {  	_ =	shalt  }
0x59: {  	_ =	shalt  }
0x5a: {  	_ =	shalt  }
0x5b: {  	_ =	shalt  }
0x5c: {  	_ =	shalt  }
0x5d: {  	_ =	shalt  }
0x5e: {  	_ =	shalt  }
0x5f: {  	_ =	shalt  }
0x60: {  	_ =	shalt  }
0x61: {  	_ =	shalt  }
0x62: {  	_ =	shalt  }
0x63: {  	_ =	shalt  }
0x64: {  	_ =	shalt  }
0x65: {  	_ =	shalt  }
0x66: {  	_ =	shalt  }
0x67: {  	_ =	shalt  }
0x68: {  	_ =	shalt  }
0x69: {  	_ =	shalt  }
0x6a: {  	_ =	shalt  }
0x6b: {  	_ =	shalt  }
0x6c: {  	_ =	shalt  }
0x6d: {  	_ =	shalt  }
0x6e: {  	_ =	shalt  }
0x6f: {  	_ =	shalt  }
0x70: {  	_ =	shalt  }
0x71: {  	_ =	shalt  }
0x72: {  	_ =	shalt  }
0x73: {  	_ =	shalt  }
0x74: {  	_ =	shalt  }
0x75: {  	_ =	shalt  }
0x76: {  	_ =	shalt  }
0x77: {  	_ =	shalt  }
0x78: {  	_ =	shalt  }
0x79: {  	_ =	shalt  }
0x7a: {  	_ =	shalt  }
0x7b: {  	_ =	shalt  }
0x7c: {  	_ =	shalt  }
0x7d: {  	_ =	shalt  }
0x7e: {  	_ =	shalt  }
0x7f: {  	_ =	shalt  }
0x80: {  	_ =	shalt  }
0x81: {  	_ =	shalt  }
0x82: {  	_ =	shalt  }
0x83: {  	_ =	shalt  }
0x84: {  	_ =	shalt  }
0x85: {  	_ =	shalt  }
0x86: {  	_ =	shalt  }
0x87: {  	_ =	shalt  }
.Lfunc_end0:
.L_simem_size_0:
called_computation_lowered:
.L_overlay_start_0:
0x88: {  	s2 =	sld [smem:$0x3FD9]  }
0x89: {  	s3 =	sld [smem:$0x3FFE];
	_ =	sdelay $0x1  }
0x8a: {  	s1 =	srdreg.scid  }
0x8b: {  	s0 =	sand.u32 $0x1, s1  }
0x8c: {  	s14 =	sshll.u32 s0, $0xA;
	s2 =	sadd.s32 s3, s2  }
0x8d: {  	s2 =	sadd.s32 s2, s14  }
0x8e: {  	[smem:$0x3FC3] =	sst s2  }
0x8f: {  	_ = 	snop  }
0x90: {  	s2 =	sld [smem:$0x3FD0];
	_ =	sdelay $0x2  }
0x91: {  	s15 =	simm.s32 $0xA;
	s4 =	simm.s32 $0x10  }
0x92: {  	[smem:s4], [sflag:s15] =	dma.local [hbm:s2], $0x1  }
0x93: {  	_ =	swait.eq [sflag:s15], $0x1  }
0x94: {  	[sflag:s15] =	ssyncset.done $0x0  }
0x95: {  	[sflag:s15] =	ssyncadd.s32 $0xFFFFFFFF  }
0x96: {  	s16 =	sld [smem:$0x10];
	(tm) =	ssettm $0x1  }
0x97: {  	s17 =	sld [smem:$0x3FFB];
	_ =	sdelay $0x3  }
0x98: {  	_ =	strace s17  }
0x99: {  	s3 =	sld [smem:$0x3FFC];
	_ =	sdelay $0x3  }
0x9a: {  	_ =	strace s3  }
0x9b: {  	s3 =	sld [smem:$0x3FFD];
	_ =	sdelay $0x3  }
0x9c: {  	_ =	strace s3  }
0x9d: {  	_ =	strace $0x8FFFFFFF  }
0x9e: {  	s18 =	sld [smem:$0x3FDB];
	_ =	sdelay $0x1  }
0x9f: {  	s19 =	simm.s32 $_scs_section_size  }
0xa0: {  	s5 =	simm.s32 $_size__tile_overlayer_lowered;
	s6 =	simm.s32 $_tile_overlayer_lowered  }
0xa1: {  	s22 =	simm.s32 $0x1BFF;
	s21 =	sshll.u32 s6, $0x1;
	s3 =	sadd.s32 s19, s18  }
0xa2: {  	s7 =	simm.s32 $0x0;
	s20 =	sshll.u32 s5, $0x1;
	s5 =	sadd.s32 s21, s3  }
0xa3: {  	[timem:s7], [sflag:s22] =	dma.local [hbm:s5], s20  }
0xa4: {  	_ =	swait.ge [sflag:s22], s20  }
0xa5: {  	s4 =	ssub.s32 $0x0, s20;
	[sflag:s22] =	ssyncset.done $0x0  }
0xa6: {  	[sflag:s22] =	ssyncadd.s32 s4;
	_ =	sdelay $0x1  }
0xa7: {  	s23 =	simm.s32 $0x1B8B  }
0xa8: {  	_ =	swait.ge [sflag:s23], $0x1  }
0xa9: {  	[sflag:s23] =	ssyncset.done $0x0  }
0xaa: {  	s25 =	simm.s32 $0x1B8E;
	s24 =	sld [smem:$0x3FFE];
	[sflag:s23] =	ssyncadd.s32 $0xFFFFFFFF  }
0xab: {  	s26 =	simm.s32 $execute0_lowered;
	[smem:$0x3FD2] =	sst s25  }
0xac: {  	s5 =	sshll.u32 s26, $0x1;
	_ =	strace $0x80000046;
	[dreg:$0x1] =	wrdreg $0xFFFFFFFF  }
0xad: {  	s28 =	simm.s32 $_size_execute0_lowered;
	s3 =	sadd.s32 s3, s5;
	[dreg:$0x0] =	wrdreg $0x0  }
0xae: {  	s5 =	sshll.u32 s28, $0x1;
	[dreg:$0x2] =	wrdreg s3  }
0xaf: {  	[dreg:$0x3] =	wrdreg s5  }
0xb0: {  	[dreg:$0x4] =	wrdreg $0xC0  }
0xb1: {  	_ =	task [dreg:s7], $0x5FFFF  }
0xb2: {  	[dreg:$0x1] =	wrdreg $0xFFFFFFFF  }
0xb3: {  	[dreg:$0x0] =	wrdreg $0x60  }
0xb4: {  	[dreg:$0x2] =	wrdreg s24  }
0xb5: {  	[dreg:$0x3] =	wrdreg s16  }
0xb6: {  	[dreg:$0x4] =	wrdreg $0x9  }
0xb7: {  	_ =	task.clear_ibuf [dreg:s7], $0x5FFFF;
	_ =	strace $0x90000046  }
0xb8: {  	s29 =	simm.s32 $0x9;
	_ =	strace $0x80000048  }
0xb9: {  	_ =	swait.ge [sflag:s29], $0x1  }
0xba: {  	[sflag:s29] =	ssyncadd.s32 $0xFFFFFFFF  }
0xbb: {  	_ =	strace $0x90000048  }
0xbc: {  	_ =	sfence  }
0xbd: {  	s30 =	sld [smem:$0x0];
	_ =	sdelay $0x2  }
0xbe: {  	s31 =	sshll.u32 s1, $0xD;
	s1 =	sshrl.u32 s1, $0x2  }
0xbf: {  	s3 =	sand.u32 $0x4000, s31;
	s1 =	sadd.s32 s1, s30  }
0xc0: {  	s0 =	sor.u32 s3, s0;
	s1 =	sshll.u32 s1, $0x11  }
0xc1: {  	s0 =	sor.u32 s1, s0  }
0xc2: {  	s0 =	sadd.s32 $0x8F2B, s0  }
0xc3: {  	[sflag:s0] =	ssyncadd.remote.s32 $0x1  }
0xc4: {  	_ =	sfence.sel $0xFFFF  }
0xc5: {  	[dreg:$0x0] =	wrdreg $0xFFFFFFFF;
	(pc) =	sbr.abs _section_cstart, $3  }
0xc6: {  	[dreg:$0x1] =	wrdreg $0xFFFFFFFF  }
0xc7: {  	_ =	task.clear_ibuf [dreg:s7], $0x2FFFF;
	_ =	strace $0x9FFFFFFF  }
0xc8: {  	(tm) =	ssettm $0x7FFFFFFF  }
0xc9: {  	_ =	shalt  }
tec
execute0_lowered:
.L_overlay_start_1:
0x0: {  	(tag) =	ssettag $0x1  }
0x1: {  	s0 =	srdreg.scid  }
0x2: {  	s3 =	sand.u32 $0x1, s0;
	s0 =	stileid.u32  }
0x3: {  	s4 =	sshll.u32 s0, $0x1;
	s6 =	ssub.s32 $0x0, s3  }
0x4: {  	p0 =	sne.s32 s4, s6  }
.Ltmp0:
0x5: {  	_ = 	snop;
	(pc) =	sbr.rel @p0 .LBB2_7-.Ltmp0, $4  }
0x6: {  	_ = 	snop  }
0x7: {  	s5 =	rddreg [dreg:$0x0]  }
0x8: {  	s2 =	rddreg [dreg:$0x1]  }
0x9: {  	s1 =	rddreg [dreg:$0x2];
	_ =	strace $0x80000047  }
0xa: {  	s4 =	ssub.s32 $0x2, s3  }
0xb: {  	s3 =	sadd.s32 $0x21000, s5;
	s7 =	simm.s32 $0x0;
	s8 =	simm.s32 $0x1  }
0xc: {  	s9 =	simm.s32 $0x1000;
	s10 =	simm.s32 $0x2000;
	s6 =	sshrl.u32 s4, $0x1  }
0xd: {  	s11 =	simm.s32 $0x3800;
	s12 =	simm.s32 $0x0;
	s6 =	ssub.s32 s4, s6  }
0xe: {  	v0 =	vimm.s32 $0x0;
	v1 =	vimm.f32 $0.0e+00;
	v2 =	vlaneseq.u32;
	s4 =	sadd.s32 $0x20E00, s5;
	s5 =	sadd.s32 $0x21200, s5;
	s6 =	smax.u32 s6, $0x1  }
.LBB2_2:
0xf: {  	[tilespmem:s7], [sflag:$0x1] =	stream.linear.gather [hbm4b:s3+s7], $0x1000, $0x38;
	[tilespmem:$0x5000] =	vst v63  }
0x10: {  	_ =	swait.ge [sflag:s8], $0x1000  }
0x11: {  	[sflag:s8] =	ssyncset.done $0x0  }
0x12: {  	[sflag:s8] =	ssyncadd.s32 $0xFFFFF000  }
0x13: {  	[tilespmem:s9], [sflag:$0x1] =	stream.linear.gather [hbm4b:s4+s7], $0x1000, $0x38;
	[tilespmem:$0x5000] =	vst v63  }
0x14: {  	_ =	swait.ge [sflag:s8], $0x1000  }
0x15: {  	[sflag:s8] =	ssyncset.done $0x0  }
0x16: {  	s13 =	simm.s32 $0x0;
	[sflag:s8] =	ssyncadd.s32 $0xFFFFF000  }
.LBB2_3:
0x17: {  	p0 =	sne.s32 s13, $0x5FC0  }
.Ltmp1:
0x18: {  	_ = 	snop;
	(pc) =	sbr.rel @p0 .LBB2_3-.Ltmp1, $4  }
0x19: {  	_ = 	snop  }
0x1a: {  	s14 =	sshra.s32 s13, $0x2  }
0x1b: {  	[tilespmem:s14+$0x2000] =	vst v0  }
0x1c: {  	s13 =	sadd.s32 $0x40, s13;
	[tilespmem:s14+$0x3800] =	vst v1  }
0x1d: {  	s14 =	simm.s32 $0x0  }
0x1e: {  	v3 =	vld [tilespmem:s14+$0x0];
	_ =	sdelay $0x2  }
0x1f: {  	s13 =	simm.s32 $0x1000  }
0x20: {  	v4 =	vld [tilespmem:s13+$0x0];
	_ =	sdelay $0x1  }
0x21: {  	v5 =	vor.u32 s14, v2  }
0x22: {  	v5 =	vshrl.u32 v5, $0x1  }
0x23: {  	[tilespmem:v3+s10+$0x0] =	vst.idx.msk $0xffff, v5  }
0x24: {  	s14 =	simm.s32 $0x10;
	[tilespmem:v3+s11+$0x0] =	vst.idx.msk $0xffff, v4  }
0x25: {  	v3 =	vld [tilespmem:s14+$0x0]  }
0x26: {  	s15 =	simm.s32 $0x20;
	s16 =	simm.s32 $0x10  }
.LBB2_5:
0x27: {  	p0 =	sne.s32 s15, $0xFF0  }
0x28: {  	s13 =	sadd.s32 $0x10, s13  }
0x29: {  	v4 =	vld [tilespmem:s13+$0x0];
	_ =	sdelay $0x1  }
0x2a: {  	v5 =	vor.u32 s14, v2;
	s14 =	smov.u32 s15  }
.Ltmp2:
0x2b: {  	v5 =	vshrl.u32 v5, $0x1;
	(pc) =	sbr.rel @p0 .LBB2_5-.Ltmp2, $4  }
0x2c: {  	[tilespmem:v3+s10+$0x0] =	vst.idx.msk $0xffff, v5  }
0x2d: {  	s16 =	sadd.s32 $0x10, s16;
	[tilespmem:v3+s11+$0x0] =	vst.idx.msk $0xffff, v4  }
0x2e: {  	v3 =	vld [tilespmem:s16+$0x0]  }
0x2f: {  	s15 =	sadd.s32 $0x10, s15  }
0x30: {  	_ =	sdelay $0x1  }
0x31: {  	s13 =	sadd.s32 $0x10, s13  }
0x32: {  	v4 =	vld [tilespmem:s13+$0x0];
	_ =	sdelay $0x1  }
0x33: {  	v5 =	vor.u32 s14, v2  }
0x34: {  	v5 =	vshrl.u32 v5, $0x1  }
0x35: {  	[tilespmem:v3+s10+$0x0] =	vst.idx.msk $0xffff, v5  }
0x36: {  	[tilespmem:v3+s11+$0x0] =	vst.idx.msk $0xffff, v4  }
0x37: {  	[hbm4b:s2+s7] =	stream.linear.scatter [tilespmem:s10], [sflag:$0x1], $0x1800, $0x38;
	[tilespmem:$0x5000] =	vst v63  }
0x38: {  	s12 =	sadd.s32 $0x1, s12;
	_ =	swait.ge [sflag:s8], $0x1800  }
0x39: {  	p0 =	sne.s32 s12, s6;
	[sflag:s8] =	ssyncset.done $0x0  }
.Ltmp3:
0x3a: {  	[sflag:s8] =	ssyncadd.s32 $0xFFFFE800;
	(pc) =	sbr.rel @p0 .LBB2_2-.Ltmp3, $4  }
0x3b: {  	[hbm4b:s5+s7] =	stream.linear.scatter [tilespmem:s11], [sflag:$0x1], $0x1800, $0x38;
	[tilespmem:$0x5000] =	vst v63  }
0x3c: {  	_ =	swait.ge [sflag:s8], $0x1800  }
0x3d: {  	[sflag:s8] =	ssyncset.done $0x0  }
0x3e: {  	[sflag:s8] =	ssyncadd.s32 $0xFFFFE800  }
.LBB2_7:
0x3f: {  	_ =	sfence.sel $0x180000  }
0x40: {  	[bflag:$0x0] =	sbarrier.arrive $0xFFFF  }
0x41: {  	p0 =	sne.s32 s0, $0x0;
	_ =	strace $0x90000047  }
0x42: {  	s0 =	sadd.s32 @!p0 $0x100000, s1;
	[bflag:$0x2] =	sbarrier.arrive $0xFFFF  }
0x43: {  	[sflag:s0] =	ssyncadd.tile.s32 @!p0 $0x1;
	_ =	shalt  }
.Lfunc_end2:
_tile_overlayer_lowered:
.L_overlay_start_2:
0x44: {  	(tag) =	ssettag $0x2  }
0x45: {  	s0 =	rddreg [dreg:$0x0];
	s2 =	stileid.u32  }
0x46: {  	s1 =	rddreg [dreg:$0x1];
	p0 =	sne.s32 s2, $0x0  }
0x47: {  	s3 =	rddreg [dreg:$0x2];
	[bflag:$0x3] =	sbarrier.arrive $0xFFFF;
	s2 =	simm.s32 @!p0 $0x1C01  }
0x48: {  	[timem:s3], [sflag:s2] =	dma.local @!p0 [hbm:s0], s1  }
0x49: {  	s0 =	simm.s32 @!p0 $0x1  }
0x4a: {  	_ =	swait.ge @!p0 [sflag:s0], s1  }
0x4b: {  	s1 =	ssub.s32 @!p0 $0x0, s1;
	[sflag:s0] =	ssyncset.done @!p0 $0x0  }
0x4c: {  	[sflag:s0] =	ssyncadd.s32 @!p0 s1  }
0x4d: {  	[bflag:$0x3] =	sbarrier.arrive $0xFFFF  }
0x4e: {  	_ =	shalt  }

</sc_bundles>
